<compile_context>
chip_gen: v7x
topology: tpu7x:2x2x1
jax: 0.10.2.dev20260603
libtpu: 0.0.44.dev20260713+nightly
codegen_flags: <defaults>
</compile_context>

<pallas_src>
import functools

import jax
import jax.numpy as jnp
from jax import lax
from jax.experimental import pallas as pl
from jax.experimental.pallas import tpu as pltpu
from jax.experimental.pallas import tpu_sc as plsc

N = 10000
E = 320000
F = 128
H = 8
DH = 16
HD = H * DH
HW = HD + 16

NC = 2
NS = 16
NW = NC * NS
CHUNK = 112
KPW = 90
EPAD = NW * KPW * CHUNK
NP = 10112
ROWS_PER_TILE = NP // NS
TRASH_ROW = 10016

ROW_BLK = 1000
GRID = N // ROW_BLK
NORM_BLK = 1264
NORM_GRID = NP // NORM_BLK


def _proj_body(feat_ref, w_ref, al2_ref, ar2_ref, hel_ref, er2_ref):
    h = jnp.dot(feat_ref[...], w_ref[...], preferred_element_type=jnp.float32)
    el2 = jnp.dot(h, al2_ref[...], preferred_element_type=jnp.float32)
    hel_ref[...] = jnp.concatenate([h, el2], axis=1)
    er2_ref[...] = jnp.dot(h, ar2_ref[...], preferred_element_type=jnp.float32)


def _project(feat, W, AL2, AR2):
    return pl.pallas_call(
        _proj_body,
        grid=(GRID,),
        in_specs=[
            pl.BlockSpec((ROW_BLK, F), lambda i: (i, 0)),
            pl.BlockSpec((F, HD), lambda i: (0, 0)),
            pl.BlockSpec((F, 16), lambda i: (0, 0)),
            pl.BlockSpec((F, 16), lambda i: (0, 0)),
        ],
        out_specs=[
            pl.BlockSpec((ROW_BLK, HW), lambda i: (i, 0)),
            pl.BlockSpec((ROW_BLK, 16), lambda i: (i, 0)),
        ],
        out_shape=[
            jax.ShapeDtypeStruct((N, HW), jnp.float32),
            jax.ShapeDtypeStruct((N, 16), jnp.float32),
        ],
    )(feat, W, AL2, AR2)


def _edge_body(src_hbm, dst_hbm, hel_hbm, er2_hbm, zm_hbm,
               macc_hbm,
               idxs_a, idxd_a, idxs_b, idxd_b,
               hel_a, hel_b, erd_a, erd_b,
               macc_sh, sem_hel, sem_er):
    cid = lax.axis_index("c")
    sid = lax.axis_index("s")
    wid = sid * NC + cid

    r0 = sid * ROWS_PER_TILE
    pltpu.sync_copy(zm_hbm.at[pl.ds(r0, ROWS_PER_TILE)],
                    macc_sh.at[pl.ds(r0, ROWS_PER_TILE)])
    plsc.subcore_barrier()

    e0 = wid * KPW * CHUNK

    def load_idx(k, idxs, idxd):
        pltpu.sync_copy(src_hbm.at[pl.ds(e0 + k * CHUNK, CHUNK)], idxs)
        pltpu.sync_copy(dst_hbm.at[pl.ds(e0 + k * CHUNK, CHUNK)], idxd)

    def issue(idxs, idxd, hel_v, erd_v):
        return (pltpu.async_copy(hel_hbm.at[idxs], hel_v, sem_hel),
                pltpu.async_copy(er2_hbm.at[idxd], erd_v, sem_er))

    def compute(idxd, hel_v, erd_v):
        def edge(e, carry):
            x = hel_v[e, pl.ds(HD, 16)] + erd_v[e, :]
            x = jnp.where(x >= 0.0, x, 0.2 * x)
            av = jnp.exp(x)
            hel_v[e, pl.ds(HD, 16)] = av
            for hh in range(H):
                ah = av[hh]
                sl = pl.ds(hh * DH, DH)
                hel_v[e, sl] = ah * hel_v[e, sl]
            return carry

        lax.fori_loop(0, CHUNK, edge, 0)
        pltpu.sync_copy(hel_v, macc_sh.at[idxd], add=True)

    load_idx(0, idxs_a, idxd_a)
    ga = issue(idxs_a, idxd_a, hel_a, erd_a)

    def body2(i, carry):
        ka = 2 * i
        kb = 2 * i + 1
        ga[0].wait()
        ga[1].wait()
        load_idx(kb, idxs_b, idxd_b)
        gb = issue(idxs_b, idxd_b, hel_b, erd_b)
        compute(idxd_a, hel_a, erd_a)
        gb[0].wait()
        gb[1].wait()

        @pl.when(i < KPW // 2 - 1)
        def _():
            load_idx(ka + 2, idxs_a, idxd_a)
            issue(idxs_a, idxd_a, hel_a, erd_a)

        compute(idxd_b, hel_b, erd_b)
        return carry

    lax.fori_loop(0, KPW // 2, body2, 0)
    plsc.subcore_barrier()

    pltpu.sync_copy(macc_sh.at[pl.ds(r0, ROWS_PER_TILE)],
                    macc_hbm.at[cid, pl.ds(r0, ROWS_PER_TILE)])


def _edge_pass(src_p, dst_p, hel, er2, zm):
    mesh = plsc.VectorSubcoreMesh(core_axis_name="c", subcore_axis_name="s",
                                  num_cores=NC)
    fn = functools.partial(
        pl.kernel,
        mesh=mesh,
        compiler_params=pltpu.CompilerParams(use_tc_tiling_on_sc=False),
        out_type=jax.ShapeDtypeStruct((NC, NP, HW), jnp.float32),
        scratch_types=[
            pltpu.VMEM((CHUNK,), jnp.int32),
            pltpu.VMEM((CHUNK,), jnp.int32),
            pltpu.VMEM((CHUNK,), jnp.int32),
            pltpu.VMEM((CHUNK,), jnp.int32),
            pltpu.VMEM((CHUNK, HW), jnp.float32),
            pltpu.VMEM((CHUNK, HW), jnp.float32),
            pltpu.VMEM((CHUNK, 16), jnp.float32),
            pltpu.VMEM((CHUNK, 16), jnp.float32),
            pltpu.VMEM_SHARED((NP, HW), jnp.float32),
            pltpu.SemaphoreType.DMA,
            pltpu.SemaphoreType.DMA,
        ],
    )(_edge_body)
    return fn(src_p, dst_p, hel, er2, zm)


def _norm_body(macc_ref, r16_ref, bias_ref, out_ref):
    a = macc_ref[0]
    for c in range(1, NC):
        a = a + macc_ref[c]
    num = a[:, :HD]
    s16 = a[:, HD:HW]
    sb = jnp.dot(s16, r16_ref[...], preferred_element_type=jnp.float32)
    out_ref[...] = num / (sb + 1e-9) + bias_ref[...]


def _normalize(macc, R16, bias2d):
    return pl.pallas_call(
        _norm_body,
        grid=(NORM_GRID,),
        in_specs=[
            pl.BlockSpec((NC, NORM_BLK, HW), lambda i: (0, i, 0)),
            pl.BlockSpec((16, HD), lambda i: (0, 0)),
            pl.BlockSpec((1, HD), lambda i: (0, 0)),
        ],
        out_specs=pl.BlockSpec((NORM_BLK, HD), lambda i: (i, 0)),
        out_shape=jax.ShapeDtypeStruct((NP, HD), jnp.float32),
    )(macc, R16, bias2d)


def kernel(feat, edge_index, W, attn_l, attn_r, bias):
    src = edge_index[0]
    dst = edge_index[1]

    didx = jnp.arange(F)
    head_of_d = didx // DH
    al_flat = attn_l.reshape(F)
    ar_flat = attn_r.reshape(F)
    onehot = (head_of_d[:, None] == jnp.arange(H)[None, :]).astype(jnp.float32)
    AL = al_flat[:, None] * onehot
    AR = ar_flat[:, None] * onehot
    AL2 = jnp.tile(AL, (1, 2))
    AR2 = jnp.tile(AR, (1, 2))

    R16 = (jnp.arange(16)[:, None] == (jnp.arange(HD)[None, :] // DH)
           ).astype(jnp.float32)

    hel, er2 = _project(feat, W, AL2, AR2)

    zm = jnp.zeros((NP, HW), jnp.float32)
    npad = EPAD - E
    src_p = jnp.concatenate([src, jnp.zeros((npad,), jnp.int32)])
    dst_p = jnp.concatenate([dst, jnp.full((npad,), TRASH_ROW, jnp.int32)])
    macc = _edge_pass(src_p, dst_p, hel, er2, zm)

    out = _normalize(macc, R16, bias.reshape(1, HD))
    return out[:N]

# --- scband reference (transcript-rebuilt; emitter-appended) ---
"""Pipeline reference for scband-gat-p3-first-17437567221934 (READ-ONLY COPY).

The authoritative reference and input builder live on the scoring server;
editing this copy changes nothing except your own understanding.
"""

import jax, jax.numpy as jnp
import numpy as np

N = 10000
E = 320000
IN_FEATS = 128
NUM_HEADS = 8
OUT_HEAD = 16  # hid_feats / num_heads = 128 / 8


def setup_inputs(seed: int = 0) -> dict:
    key = jax.random.key(seed)
    k1, k2, k3, k4, k5 = jax.random.split(key, 5)
    feat = jax.random.normal(k1, (N, IN_FEATS), dtype=jnp.float32)
    edge_index = jax.random.randint(k2, (2, E), 0, N, dtype=jnp.int32)
    # GATConv parameters (DGL layout): fc weight, attn_l, attn_r, bias
    W = jax.random.normal(k3, (IN_FEATS, NUM_HEADS * OUT_HEAD), dtype=jnp.float32) * 0.08
    attn_l = jax.random.normal(k4, (NUM_HEADS, OUT_HEAD), dtype=jnp.float32) * 0.1
    attn_r = jax.random.normal(k5, (NUM_HEADS, OUT_HEAD), dtype=jnp.float32) * 0.1
    bias = jnp.zeros((NUM_HEADS * OUT_HEAD,), dtype=jnp.float32)
    return {"feat": feat, "edge_index": edge_index, "W": W, "attn_l": attn_l, "attn_r": attn_r, "bias": bias}


def reference(feat, edge_index, W, attn_l, attn_r, bias):
    src = edge_index[0]
    dst = edge_index[1]
    # linear projection, reshape to heads
    h = (feat @ W).reshape(N, NUM_HEADS, OUT_HEAD)  # [N, H, Dh]
    # per-node attention logits
    el = jnp.sum(h * attn_l[None, :, :], axis=-1)  # [N, H]
    er = jnp.sum(h * attn_r[None, :, :], axis=-1)  # [N, H]
    # per-edge logits (gather) + leaky relu (negative_slope=0.2, DGL default)
    e = jax.nn.leaky_relu(el[src] + er[dst], negative_slope=0.2)  # [E, H]
    # edge softmax normalized per destination node
    m = jax.ops.segment_max(e, dst, num_segments=N)  # [N, H]
    m = jnp.where(jnp.isfinite(m), m, 0.0)
    a = jnp.exp(e - m[dst])  # [E, H]
    s = jax.ops.segment_sum(a, dst, num_segments=N)  # [N, H]
    alpha = a / (s[dst] + 1e-9)  # [E, H]
    # weighted message aggregation (scatter-add by dst)
    msg = alpha[:, :, None] * h[src]  # [E, H, Dh]
    out = jax.ops.segment_sum(msg, dst, num_segments=N)  # [N, H, Dh]
    out = out + bias.reshape(1, NUM_HEADS, OUT_HEAD)
    # module does .flatten(1)
    return out.reshape(N, NUM_HEADS * OUT_HEAD)

if __name__ == "__main__":
    import jax
    _d = setup_inputs()
    print(jax.jit(kernel)(*tuple(_d.values())))

</pallas_src>

<mosaic_0001>
#map = affine_map<(d0, d1) -> (0)>
#map1 = affine_map<(d0, d1) -> (0, 0)>
#map2 = affine_map<(d0, d1) -> (0, 0, 0)>
module attributes {stable_mosaic.version = 14 : i64} {
  func.func @_edge_body(%arg0: i32, %arg1: i32, %arg2: memref<322560xi32, #tpu.memory_space<hbm>>, %arg3: memref<322560xi32, #tpu.memory_space<hbm>>, %arg4: memref<10000x144xf32, #tpu.memory_space<hbm>>, %arg5: memref<10000x16xf32, #tpu.memory_space<hbm>>, %arg6: memref<10112x144xf32, #tpu.memory_space<hbm>>, %arg7: memref<2x10112x144xf32, #tpu.memory_space<hbm>>, %arg8: memref<112xi32, #tpu.memory_space<vmem>>, %arg9: memref<112xi32, #tpu.memory_space<vmem>>, %arg10: memref<112xi32, #tpu.memory_space<vmem>>, %arg11: memref<112xi32, #tpu.memory_space<vmem>>, %arg12: memref<112x144xf32, #tpu.memory_space<vmem>>, %arg13: memref<112x144xf32, #tpu.memory_space<vmem>>, %arg14: memref<112x16xf32, #tpu.memory_space<vmem>>, %arg15: memref<112x16xf32, #tpu.memory_space<vmem>>, %arg16: memref<10112x144xf32, #tpu.memory_space<vmem_shared>>, %arg17: memref<!tpu.dma_semaphore, #tpu.memory_space<semaphore_mem>>, %arg18: memref<!tpu.dma_semaphore, #tpu.memory_space<semaphore_mem>>) attributes {dimension_semantics = [#tpu.dimension_semantics<core_parallel>, #tpu.dimension_semantics<subcore_parallel>], iteration_bounds = array<i64: 2, 16>, scalar_prefetch = 0 : i64, scratch_operands = 11 : i64, tpu.core_type = #tpu.core_type<sc_vector_subcore>, window_params = [{transform_indices = #map}, {transform_indices = #map}, {transform_indices = #map1}, {transform_indices = #map1}, {transform_indices = #map1}, {transform_indices = #map2}]} {
    %mul3A = arith.constant 2 : i32
    %mul3A_0 = arith.muli %arg1, %mul3A : i32
    %add3A = arith.addi %mul3A_0, %arg0 : i32
    %mul3A_1 = arith.constant 632 : i32
    %mul3A_2 = arith.muli %arg1, %mul3A_1 : i32
    "tpu.region"() ({
      %run_scoped3A = tpu.sem_alloc : memref<!tpu.dma_semaphore, #tpu.memory_space<semaphore_mem>>
      %dma_start3A_22 = arith.constant 0 : i32
      %dma_start3A_23 = tpu.memref_slice %arg16[%mul3A_2, %dma_start3A_22] : memref<10112x144xf32, #tpu.memory_space<vmem_shared>> -> memref<632x144xf32, #tpu.memory_space<vmem_shared>>
      %dma_start3A_24 = arith.constant 0 : i32
      %dma_start3A_25 = tpu.memref_slice %arg6[%mul3A_2, %dma_start3A_24] : memref<10112x144xf32, #tpu.memory_space<hbm>> -> memref<632x144xf32, #tpu.memory_space<hbm>>
      tpu.enqueue_dma source(%dma_start3A_25 : memref<632x144xf32, #tpu.memory_space<hbm>>) target(%dma_start3A_23 : memref<632x144xf32, #tpu.memory_space<vmem_shared>>) target_semaphore(%run_scoped3A : memref<!tpu.dma_semaphore, #tpu.memory_space<semaphore_mem>>)
      %dma_wait3A = arith.constant 0 : i32
      %dma_wait3A_26 = tpu.memref_slice %arg16[%mul3A_2, %dma_wait3A] : memref<10112x144xf32, #tpu.memory_space<vmem_shared>> -> memref<632x144xf32, #tpu.memory_space<vmem_shared>>
      %dma_wait3A_27 = arith.constant 0 : i32
      %dma_wait3A_28 = tpu.memref_slice %arg6[%mul3A_2, %dma_wait3A_27] : memref<10112x144xf32, #tpu.memory_space<hbm>> -> memref<632x144xf32, #tpu.memory_space<hbm>>
      tpu.wait_dma2 semaphore(%run_scoped3A : memref<!tpu.dma_semaphore, #tpu.memory_space<semaphore_mem>>) src(%dma_wait3A_28 : memref<632x144xf32, #tpu.memory_space<hbm>>) dst(%dma_wait3A_26 : memref<632x144xf32, #tpu.memory_space<vmem_shared>>)
      tpu.yield
    }) : () -> ()
    %barrier3A = arith.constant 0 : index
    tpu.barrier barrier_id(%barrier3A)
    %mul3A_3 = arith.constant 90 : i32
    %mul3A_4 = arith.muli %add3A, %mul3A_3 : i32
    %mul3A_5 = arith.constant 112 : i32
    %mul3A_6 = arith.muli %mul3A_4, %mul3A_5 : i32
    %add3A_7 = arith.constant 0 : i32
    %add3A_8 = arith.addi %mul3A_6, %add3A_7 : i32
    "tpu.region"() ({
      %run_scoped3A = tpu.sem_alloc : memref<!tpu.dma_semaphore, #tpu.memory_space<semaphore_mem>>
      %dma_start3A_22 = tpu.memref_slice %arg2[%add3A_8] : memref<322560xi32, #tpu.memory_space<hbm>> -> memref<112xi32, #tpu.memory_space<hbm>>
      %dma_start3A_23 = tpu.memref_slice %arg2[%add3A_8] : memref<322560xi32, #tpu.memory_space<hbm>> -> memref<112xi32, #tpu.memory_space<hbm>>
      tpu.enqueue_dma source(%dma_start3A_23 : memref<112xi32, #tpu.memory_space<hbm>>) target(%arg8 : memref<112xi32, #tpu.memory_space<vmem>>) target_semaphore(%run_scoped3A : memref<!tpu.dma_semaphore, #tpu.memory_space<semaphore_mem>>)
      %dma_wait3A = tpu.memref_slice %arg2[%add3A_8] : memref<322560xi32, #tpu.memory_space<hbm>> -> memref<112xi32, #tpu.memory_space<hbm>>
      %dma_wait3A_24 = tpu.memref_slice %arg2[%add3A_8] : memref<322560xi32, #tpu.memory_space<hbm>> -> memref<112xi32, #tpu.memory_space<hbm>>
      tpu.wait_dma2 semaphore(%run_scoped3A : memref<!tpu.dma_semaphore, #tpu.memory_space<semaphore_mem>>) src(%dma_wait3A_24 : memref<112xi32, #tpu.memory_space<hbm>>) dst(%arg8 : memref<112xi32, #tpu.memory_space<vmem>>)
      tpu.yield
    }) : () -> ()
    %add3A_9 = arith.constant 0 : i32
    %add3A_10 = arith.addi %mul3A_6, %add3A_9 : i32
    "tpu.region"() ({
      %run_scoped3A = tpu.sem_alloc : memref<!tpu.dma_semaphore, #tpu.memory_space<semaphore_mem>>
      %dma_start3A_22 = tpu.memref_slice %arg3[%add3A_10] : memref<322560xi32, #tpu.memory_space<hbm>> -> memref<112xi32, #tpu.memory_space<hbm>>
      %dma_start3A_23 = tpu.memref_slice %arg3[%add3A_10] : memref<322560xi32, #tpu.memory_space<hbm>> -> memref<112xi32, #tpu.memory_space<hbm>>
      tpu.enqueue_dma source(%dma_start3A_23 : memref<112xi32, #tpu.memory_space<hbm>>) target(%arg9 : memref<112xi32, #tpu.memory_space<vmem>>) target_semaphore(%run_scoped3A : memref<!tpu.dma_semaphore, #tpu.memory_space<semaphore_mem>>)
      %dma_wait3A = tpu.memref_slice %arg3[%add3A_10] : memref<322560xi32, #tpu.memory_space<hbm>> -> memref<112xi32, #tpu.memory_space<hbm>>
      %dma_wait3A_24 = tpu.memref_slice %arg3[%add3A_10] : memref<322560xi32, #tpu.memory_space<hbm>> -> memref<112xi32, #tpu.memory_space<hbm>>
      tpu.wait_dma2 semaphore(%run_scoped3A : memref<!tpu.dma_semaphore, #tpu.memory_space<semaphore_mem>>) src(%dma_wait3A_24 : memref<112xi32, #tpu.memory_space<hbm>>) dst(%arg9 : memref<112xi32, #tpu.memory_space<vmem>>)
      tpu.yield
    }) : () -> ()
    %dma_start3A = arith.constant 0 : i32
    %dma_start3A_11 = arith.constant 0 : i32
    %dma_start3A_12 = tpu.memref_slice %arg4[%dma_start3A, %dma_start3A_11] : memref<10000x144xf32, #tpu.memory_space<hbm>> -> memref<10000x144xf32, #tpu.memory_space<hbm>>
    tpu.enqueue_indirect_dma source(%dma_start3A_12 : memref<10000x144xf32, #tpu.memory_space<hbm>>) target(%arg12 : memref<112x144xf32, #tpu.memory_space<vmem>>) offsets(%arg8 : memref<112xi32, #tpu.memory_space<vmem>>) semaphore(%arg17 : memref<!tpu.dma_semaphore, #tpu.memory_space<semaphore_mem>>)
    %dma_start3A_13 = arith.constant 0 : i32
    %dma_start3A_14 = arith.constant 0 : i32
    %dma_start3A_15 = tpu.memref_slice %arg5[%dma_start3A_13, %dma_start3A_14] : memref<10000x16xf32, #tpu.memory_space<hbm>> -> memref<10000x16xf32, #tpu.memory_space<hbm>>
    tpu.enqueue_indirect_dma source(%dma_start3A_15 : memref<10000x16xf32, #tpu.memory_space<hbm>>) target(%arg14 : memref<112x16xf32, #tpu.memory_space<vmem>>) offsets(%arg9 : memref<112xi32, #tpu.memory_space<vmem>>) semaphore(%arg18 : memref<!tpu.dma_semaphore, #tpu.memory_space<semaphore_mem>>)
    %scan3A = arith.constant 0 : i32
    %scan3A_16 = arith.constant 0 : i32
    %scan3A_17 = arith.constant 45 : i32
    %scan3A_18 = arith.addi %scan3A_16, %scan3A_17 : i32
    %scan3A_19 = arith.constant 1 : i32
    scf.for %scan3A_22 = %scan3A_16 to %scan3A_18 step %scan3A_19  : i32 {
      %mul3A_23 = arith.constant 2 : i32
      %mul3A_24 = arith.muli %mul3A_23, %scan3A_22 : i32
      %mul3A_25 = arith.constant 2 : i32
      %mul3A_26 = arith.muli %mul3A_25, %scan3A_22 : i32
      %add3A_27 = arith.constant 1 : i32
      %add3A_28 = arith.addi %mul3A_26, %add3A_27 : i32
      %dma_wait3A = arith.constant 0 : i32
      %dma_wait3A_29 = arith.constant 0 : i32
      %dma_wait3A_30 = tpu.memref_slice %arg4[%dma_wait3A, %dma_wait3A_29] : memref<10000x144xf32, #tpu.memory_space<hbm>> -> memref<10000x144xf32, #tpu.memory_space<hbm>>
      tpu.wait_indirect_dma semaphore(%arg17 : memref<!tpu.dma_semaphore, #tpu.memory_space<semaphore_mem>>) src(%dma_wait3A_30 : memref<10000x144xf32, #tpu.memory_space<hbm>>) dst(%arg12 : memref<112x144xf32, #tpu.memory_space<vmem>>)
      %dma_wait3A_31 = arith.constant 0 : i32
      %dma_wait3A_32 = arith.constant 0 : i32
      %dma_wait3A_33 = tpu.memref_slice %arg5[%dma_wait3A_31, %dma_wait3A_32] : memref<10000x16xf32, #tpu.memory_space<hbm>> -> memref<10000x16xf32, #tpu.memory_space<hbm>>
      tpu.wait_indirect_dma semaphore(%arg18 : memref<!tpu.dma_semaphore, #tpu.memory_space<semaphore_mem>>) src(%dma_wait3A_33 : memref<10000x16xf32, #tpu.memory_space<hbm>>) dst(%arg14 : memref<112x16xf32, #tpu.memory_space<vmem>>)
      %mul3A_34 = arith.constant 112 : i32
      %mul3A_35 = arith.muli %add3A_28, %mul3A_34 : i32
      %add3A_36 = arith.addi %mul3A_6, %mul3A_35 : i32
      "tpu.region"() ({
        %run_scoped3A = tpu.sem_alloc : memref<!tpu.dma_semaphore, #tpu.memory_space<semaphore_mem>>
        %dma_start3A_66 = tpu.memref_slice %arg2[%add3A_36] : memref<322560xi32, #tpu.memory_space<hbm>> -> memref<112xi32, #tpu.memory_space<hbm>>
        %dma_start3A_67 = tpu.memref_slice %arg2[%add3A_36] : memref<322560xi32, #tpu.memory_space<hbm>> -> memref<112xi32, #tpu.memory_space<hbm>>
        tpu.enqueue_dma source(%dma_start3A_67 : memref<112xi32, #tpu.memory_space<hbm>>) target(%arg10 : memref<112xi32, #tpu.memory_space<vmem>>) target_semaphore(%run_scoped3A : memref<!tpu.dma_semaphore, #tpu.memory_space<semaphore_mem>>)
        %dma_wait3A_68 = tpu.memref_slice %arg2[%add3A_36] : memref<322560xi32, #tpu.memory_space<hbm>> -> memref<112xi32, #tpu.memory_space<hbm>>
        %dma_wait3A_69 = tpu.memref_slice %arg2[%add3A_36] : memref<322560xi32, #tpu.memory_space<hbm>> -> memref<112xi32, #tpu.memory_space<hbm>>
        tpu.wait_dma2 semaphore(%run_scoped3A : memref<!tpu.dma_semaphore, #tpu.memory_space<semaphore_mem>>) src(%dma_wait3A_69 : memref<112xi32, #tpu.memory_space<hbm>>) dst(%arg10 : memref<112xi32, #tpu.memory_space<vmem>>)
        tpu.yield
      }) : () -> ()
      %mul3A_37 = arith.constant 112 : i32
      %mul3A_38 = arith.muli %add3A_28, %mul3A_37 : i32
      %add3A_39 = arith.addi %mul3A_6, %mul3A_38 : i32
      "tpu.region"() ({
        %run_scoped3A = tpu.sem_alloc : memref<!tpu.dma_semaphore, #tpu.memory_space<semaphore_mem>>
        %dma_start3A_66 = tpu.memref_slice %arg3[%add3A_39] : memref<322560xi32, #tpu.memory_space<hbm>> -> memref<112xi32, #tpu.memory_space<hbm>>
        %dma_start3A_67 = tpu.memref_slice %arg3[%add3A_39] : memref<322560xi32, #tpu.memory_space<hbm>> -> memref<112xi32, #tpu.memory_space<hbm>>
        tpu.enqueue_dma source(%dma_start3A_67 : memref<112xi32, #tpu.memory_space<hbm>>) target(%arg11 : memref<112xi32, #tpu.memory_space<vmem>>) target_semaphore(%run_scoped3A : memref<!tpu.dma_semaphore, #tpu.memory_space<semaphore_mem>>)
        %dma_wait3A_68 = tpu.memref_slice %arg3[%add3A_39] : memref<322560xi32, #tpu.memory_space<hbm>> -> memref<112xi32, #tpu.memory_space<hbm>>
        %dma_wait3A_69 = tpu.memref_slice %arg3[%add3A_39] : memref<322560xi32, #tpu.memory_space<hbm>> -> memref<112xi32, #tpu.memory_space<hbm>>
        tpu.wait_dma2 semaphore(%run_scoped3A : memref<!tpu.dma_semaphore, #tpu.memory_space<semaphore_mem>>) src(%dma_wait3A_69 : memref<112xi32, #tpu.memory_space<hbm>>) dst(%arg11 : memref<112xi32, #tpu.memory_space<vmem>>)
        tpu.yield
      }) : () -> ()
      %dma_start3A_40 = arith.constant 0 : i32
      %dma_start3A_41 = arith.constant 0 : i32
      %dma_start3A_42 = tpu.memref_slice %arg4[%dma_start3A_40, %dma_start3A_41] : memref<10000x144xf32, #tpu.memory_space<hbm>> -> memref<10000x144xf32, #tpu.memory_space<hbm>>
      tpu.enqueue_indirect_dma source(%dma_start3A_42 : memref<10000x144xf32, #tpu.memory_space<hbm>>) target(%arg13 : memref<112x144xf32, #tpu.memory_space<vmem>>) offsets(%arg10 : memref<112xi32, #tpu.memory_space<vmem>>) semaphore(%arg17 : memref<!tpu.dma_semaphore, #tpu.memory_space<semaphore_mem>>)
      %dma_start3A_43 = arith.constant 0 : i32
      %dma_start3A_44 = arith.constant 0 : i32
      %dma_start3A_45 = tpu.memref_slice %arg5[%dma_start3A_43, %dma_start3A_44] : memref<10000x16xf32, #tpu.memory_space<hbm>> -> memref<10000x16xf32, #tpu.memory_space<hbm>>
      tpu.enqueue_indirect_dma source(%dma_start3A_45 : memref<10000x16xf32, #tpu.memory_space<hbm>>) target(%arg15 : memref<112x16xf32, #tpu.memory_space<vmem>>) offsets(%arg11 : memref<112xi32, #tpu.memory_space<vmem>>) semaphore(%arg18 : memref<!tpu.dma_semaphore, #tpu.memory_space<semaphore_mem>>)
      %scan3A_46 = arith.constant 0 : i32
      %scan3A_47 = arith.constant 0 : i32
      %scan3A_48 = arith.constant 112 : i32
      %scan3A_49 = arith.addi %scan3A_47, %scan3A_48 : i32
      %scan3A_50 = arith.constant 1 : i32
      scf.for %scan3A_66 = %scan3A_47 to %scan3A_49 step %scan3A_50  : i32 {
        %get3A = arith.index_cast %scan3A_66 : i32 to index
        %get3A_67 = arith.constant 128 : index
        %get3A_68 = tpu.vector_load %arg12[%get3A, %get3A_67] {strides = array<i32>} : memref<112x144xf32, #tpu.memory_space<vmem>>, vector<1x16xf32>,
        %get3A_69 = vector.shape_cast %get3A_68 : vector<1x16xf32> to vector<16xf32>
        %get3A_70 = arith.index_cast %scan3A_66 : i32 to index
        %get3A_71 = arith.constant 0 : index
        %get3A_72 = tpu.vector_load %arg14[%get3A_70, %get3A_71] {strides = array<i32>} : memref<112x16xf32, #tpu.memory_space<vmem>>, vector<1x16xf32>,
        %get3A_73 = vector.shape_cast %get3A_72 : vector<1x16xf32> to vector<16xf32>
        %add3A_74 = arith.addf %get3A_69, %get3A_73 : vector<16xf32>
        %ge3A = arith.constant 0.000000e+00 : f32
        %ge3A_75 = vector.broadcast %ge3A : f32 to vector<16xf32>
        %ge3A_76 = arith.cmpf oge, %add3A_74, %ge3A_75 : vector<16xf32>
        %mul3A_77 = arith.constant 2.000000e-01 : f32
        %mul3A_78 = vector.broadcast %mul3A_77 : f32 to vector<16xf32>
        %mul3A_79 = arith.mulf %mul3A_78, %add3A_74 : vector<16xf32>
        %select_n3A = arith.select %ge3A_76, %add3A_74, %mul3A_79 : vector<16xi1>, vector<16xf32>
        %exp3A = math.exp %select_n3A : vector<16xf32>
        %swap3A = arith.index_cast %scan3A_66 : i32 to index
        %swap3A_80 = arith.constant 128 : index
        %swap3A_81 = tpu.vector_load %arg12[%swap3A, %swap3A_80] {strides = array<i32>} : memref<112x144xf32, #tpu.memory_space<vmem>>, vector<1x16xf32>,
        %swap3A_82 = vector.shape_cast %swap3A_81 : vector<1x16xf32> to vector<16xf32>
        %swap3A_83 = vector.shape_cast %exp3A : vector<16xf32> to vector<1x16xf32>
        tpu.vector_store %arg12[%swap3A, %swap3A_80], %swap3A_83 {strides = array<i32>} : memref<112x144xf32, #tpu.memory_space<vmem>>, vector<1x16xf32>,
        %slice3A = vector.extract_strided_slice %exp3A {offsets = [0], sizes = [1], strides = [1]} : vector<16xf32> to vector<1xf32>
        %squeeze3A = vector.extract %slice3A[0] : f32 from vector<1xf32>
        %get3A_84 = arith.index_cast %scan3A_66 : i32 to index
        %get3A_85 = arith.constant 0 : index
        %get3A_86 = tpu.vector_load %arg12[%get3A_84, %get3A_85] {strides = array<i32>} : memref<112x144xf32, #tpu.memory_space<vmem>>, vector<1x16xf32>,
        %get3A_87 = vector.shape_cast %get3A_86 : vector<1x16xf32> to vector<16xf32>
        %mul3A_88 = vector.broadcast %squeeze3A : f32 to vector<16xf32>
        %mul3A_89 = arith.mulf %mul3A_88, %get3A_87 : vector<16xf32>
        %swap3A_90 = arith.index_cast %scan3A_66 : i32 to index
        %swap3A_91 = arith.constant 0 : index
        %swap3A_92 = tpu.vector_load %arg12[%swap3A_90, %swap3A_91] {strides = array<i32>} : memref<112x144xf32, #tpu.memory_space<vmem>>, vector<1x16xf32>,
        %swap3A_93 = vector.shape_cast %swap3A_92 : vector<1x16xf32> to vector<16xf32>
        %swap3A_94 = vector.shape_cast %mul3A_89 : vector<16xf32> to vector<1x16xf32>
        tpu.vector_store %arg12[%swap3A_90, %swap3A_91], %swap3A_94 {strides = array<i32>} : memref<112x144xf32, #tpu.memory_space<vmem>>, vector<1x16xf32>,
        %slice3A_95 = vector.extract_strided_slice %exp3A {offsets = [1], sizes = [1], strides = [1]} : vector<16xf32> to vector<1xf32>
        %squeeze3A_96 = vector.extract %slice3A_95[0] : f32 from vector<1xf32>
        %get3A_97 = arith.index_cast %scan3A_66 : i32 to index
        %get3A_98 = arith.constant 16 : index
        %get3A_99 = tpu.vector_load %arg12[%get3A_97, %get3A_98] {strides = array<i32>} : memref<112x144xf32, #tpu.memory_space<vmem>>, vector<1x16xf32>,
        %get3A_100 = vector.shape_cast %get3A_99 : vector<1x16xf32> to vector<16xf32>
        %mul3A_101 = vector.broadcast %squeeze3A_96 : f32 to vector<16xf32>
        %mul3A_102 = arith.mulf %mul3A_101, %get3A_100 : vector<16xf32>
        %swap3A_103 = arith.index_cast %scan3A_66 : i32 to index
        %swap3A_104 = arith.constant 16 : index
        %swap3A_105 = tpu.vector_load %arg12[%swap3A_103, %swap3A_104] {strides = array<i32>} : memref<112x144xf32, #tpu.memory_space<vmem>>, vector<1x16xf32>,
        %swap3A_106 = vector.shape_cast %swap3A_105 : vector<1x16xf32> to vector<16xf32>
        %swap3A_107 = vector.shape_cast %mul3A_102 : vector<16xf32> to vector<1x16xf32>
        tpu.vector_store %arg12[%swap3A_103, %swap3A_104], %swap3A_107 {strides = array<i32>} : memref<112x144xf32, #tpu.memory_space<vmem>>, vector<1x16xf32>,
        %slice3A_108 = vector.extract_strided_slice %exp3A {offsets = [2], sizes = [1], strides = [1]} : vector<16xf32> to vector<1xf32>
        %squeeze3A_109 = vector.extract %slice3A_108[0] : f32 from vector<1xf32>
        %get3A_110 = arith.index_cast %scan3A_66 : i32 to index
        %get3A_111 = arith.constant 32 : index
        %get3A_112 = tpu.vector_load %arg12[%get3A_110, %get3A_111] {strides = array<i32>} : memref<112x144xf32, #tpu.memory_space<vmem>>, vector<1x16xf32>,
        %get3A_113 = vector.shape_cast %get3A_112 : vector<1x16xf32> to vector<16xf32>
        %mul3A_114 = vector.broadcast %squeeze3A_109 : f32 to vector<16xf32>
        %mul3A_115 = arith.mulf %mul3A_114, %get3A_113 : vector<16xf32>
        %swap3A_116 = arith.index_cast %scan3A_66 : i32 to index
        %swap3A_117 = arith.constant 32 : index
        %swap3A_118 = tpu.vector_load %arg12[%swap3A_116, %swap3A_117] {strides = array<i32>} : memref<112x144xf32, #tpu.memory_space<vmem>>, vector<1x16xf32>,
        %swap3A_119 = vector.shape_cast %swap3A_118 : vector<1x16xf32> to vector<16xf32>
        %swap3A_120 = vector.shape_cast %mul3A_115 : vector<16xf32> to vector<1x16xf32>
        tpu.vector_store %arg12[%swap3A_116, %swap3A_117], %swap3A_120 {strides = array<i32>} : memref<112x144xf32, #tpu.memory_space<vmem>>, vector<1x16xf32>,
        %slice3A_121 = vector.extract_strided_slice %exp3A {offsets = [3], sizes = [1], strides = [1]} : vector<16xf32> to vector<1xf32>
        %squeeze3A_122 = vector.extract %slice3A_121[0] : f32 from vector<1xf32>
        %get3A_123 = arith.index_cast %scan3A_66 : i32 to index
        %get3A_124 = arith.constant 48 : index
        %get3A_125 = tpu.vector_load %arg12[%get3A_123, %get3A_124] {strides = array<i32>} : memref<112x144xf32, #tpu.memory_space<vmem>>, vector<1x16xf32>,
        %get3A_126 = vector.shape_cast %get3A_125 : vector<1x16xf32> to vector<16xf32>
        %mul3A_127 = vector.broadcast %squeeze3A_122 : f32 to vector<16xf32>
        %mul3A_128 = arith.mulf %mul3A_127, %get3A_126 : vector<16xf32>
        %swap3A_129 = arith.index_cast %scan3A_66 : i32 to index
        %swap3A_130 = arith.constant 48 : index
        %swap3A_131 = tpu.vector_load %arg12[%swap3A_129, %swap3A_130] {strides = array<i32>} : memref<112x144xf32, #tpu.memory_space<vmem>>, vector<1x16xf32>,
        %swap3A_132 = vector.shape_cast %swap3A_131 : vector<1x16xf32> to vector<16xf32>
        %swap3A_133 = vector.shape_cast %mul3A_128 : vector<16xf32> to vector<1x16xf32>
        tpu.vector_store %arg12[%swap3A_129, %swap3A_130], %swap3A_133 {strides = array<i32>} : memref<112x144xf32, #tpu.memory_space<vmem>>, vector<1x16xf32>,
        %slice3A_134 = vector.extract_strided_slice %exp3A {offsets = [4], sizes = [1], strides = [1]} : vector<16xf32> to vector<1xf32>
        %squeeze3A_135 = vector.extract %slice3A_134[0] : f32 from vector<1xf32>
        %get3A_136 = arith.index_cast %scan3A_66 : i32 to index
        %get3A_137 = arith.constant 64 : index
        %get3A_138 = tpu.vector_load %arg12[%get3A_136, %get3A_137] {strides = array<i32>} : memref<112x144xf32, #tpu.memory_space<vmem>>, vector<1x16xf32>,
        %get3A_139 = vector.shape_cast %get3A_138 : vector<1x16xf32> to vector<16xf32>
        %mul3A_140 = vector.broadcast %squeeze3A_135 : f32 to vector<16xf32>
        %mul3A_141 = arith.mulf %mul3A_140, %get3A_139 : vector<16xf32>
        %swap3A_142 = arith.index_cast %scan3A_66 : i32 to index
        %swap3A_143 = arith.constant 64 : index
        %swap3A_144 = tpu.vector_load %arg12[%swap3A_142, %swap3A_143] {strides = array<i32>} : memref<112x144xf32, #tpu.memory_space<vmem>>, vector<1x16xf32>,
        %swap3A_145 = vector.shape_cast %swap3A_144 : vector<1x16xf32> to vector<16xf32>
        %swap3A_146 = vector.shape_cast %mul3A_141 : vector<16xf32> to vector<1x16xf32>
        tpu.vector_store %arg12[%swap3A_142, %swap3A_143], %swap3A_146 {strides = array<i32>} : memref<112x144xf32, #tpu.memory_space<vmem>>, vector<1x16xf32>,
        %slice3A_147 = vector.extract_strided_slice %exp3A {offsets = [5], sizes = [1], strides = [1]} : vector<16xf32> to vector<1xf32>
        %squeeze3A_148 = vector.extract %slice3A_147[0] : f32 from vector<1xf32>
        %get3A_149 = arith.index_cast %scan3A_66 : i32 to index
        %get3A_150 = arith.constant 80 : index
        %get3A_151 = tpu.vector_load %arg12[%get3A_149, %get3A_150] {strides = array<i32>} : memref<112x144xf32, #tpu.memory_space<vmem>>, vector<1x16xf32>,
        %get3A_152 = vector.shape_cast %get3A_151 : vector<1x16xf32> to vector<16xf32>
        %mul3A_153 = vector.broadcast %squeeze3A_148 : f32 to vector<16xf32>
        %mul3A_154 = arith.mulf %mul3A_153, %get3A_152 : vector<16xf32>
        %swap3A_155 = arith.index_cast %scan3A_66 : i32 to index
        %swap3A_156 = arith.constant 80 : index
        %swap3A_157 = tpu.vector_load %arg12[%swap3A_155, %swap3A_156] {strides = array<i32>} : memref<112x144xf32, #tpu.memory_space<vmem>>, vector<1x16xf32>,
        %swap3A_158 = vector.shape_cast %swap3A_157 : vector<1x16xf32> to vector<16xf32>
        %swap3A_159 = vector.shape_cast %mul3A_154 : vector<16xf32> to vector<1x16xf32>
        tpu.vector_store %arg12[%swap3A_155, %swap3A_156], %swap3A_159 {strides = array<i32>} : memref<112x144xf32, #tpu.memory_space<vmem>>, vector<1x16xf32>,
        %slice3A_160 = vector.extract_strided_slice %exp3A {offsets = [6], sizes = [1], strides = [1]} : vector<16xf32> to vector<1xf32>
        %squeeze3A_161 = vector.extract %slice3A_160[0] : f32 from vector<1xf32>
        %get3A_162 = arith.index_cast %scan3A_66 : i32 to index
        %get3A_163 = arith.constant 96 : index
        %get3A_164 = tpu.vector_load %arg12[%get3A_162, %get3A_163] {strides = array<i32>} : memref<112x144xf32, #tpu.memory_space<vmem>>, vector<1x16xf32>,
        %get3A_165 = vector.shape_cast %get3A_164 : vector<1x16xf32> to vector<16xf32>
        %mul3A_166 = vector.broadcast %squeeze3A_161 : f32 to vector<16xf32>
        %mul3A_167 = arith.mulf %mul3A_166, %get3A_165 : vector<16xf32>
        %swap3A_168 = arith.index_cast %scan3A_66 : i32 to index
        %swap3A_169 = arith.constant 96 : index
        %swap3A_170 = tpu.vector_load %arg12[%swap3A_168, %swap3A_169] {strides = array<i32>} : memref<112x144xf32, #tpu.memory_space<vmem>>, vector<1x16xf32>,
        %swap3A_171 = vector.shape_cast %swap3A_170 : vector<1x16xf32> to vector<16xf32>
        %swap3A_172 = vector.shape_cast %mul3A_167 : vector<16xf32> to vector<1x16xf32>
        tpu.vector_store %arg12[%swap3A_168, %swap3A_169], %swap3A_172 {strides = array<i32>} : memref<112x144xf32, #tpu.memory_space<vmem>>, vector<1x16xf32>,
        %slice3A_173 = vector.extract_strided_slice %exp3A {offsets = [7], sizes = [1], strides = [1]} : vector<16xf32> to vector<1xf32>
        %squeeze3A_174 = vector.extract %slice3A_173[0] : f32 from vector<1xf32>
        %get3A_175 = arith.index_cast %scan3A_66 : i32 to index
        %get3A_176 = arith.constant 112 : index
        %get3A_177 = tpu.vector_load %arg12[%get3A_175, %get3A_176] {strides = array<i32>} : memref<112x144xf32, #tpu.memory_space<vmem>>, vector<1x16xf32>,
        %get3A_178 = vector.shape_cast %get3A_177 : vector<1x16xf32> to vector<16xf32>
        %mul3A_179 = vector.broadcast %squeeze3A_174 : f32 to vector<16xf32>
        %mul3A_180 = arith.mulf %mul3A_179, %get3A_178 : vector<16xf32>
        %swap3A_181 = arith.index_cast %scan3A_66 : i32 to index
        %swap3A_182 = arith.constant 112 : index
        %swap3A_183 = tpu.vector_load %arg12[%swap3A_181, %swap3A_182] {strides = array<i32>} : memref<112x144xf32, #tpu.memory_space<vmem>>, vector<1x16xf32>,
        %swap3A_184 = vector.shape_cast %swap3A_183 : vector<1x16xf32> to vector<16xf32>
        %swap3A_185 = vector.shape_cast %mul3A_180 : vector<16xf32> to vector<1x16xf32>
        tpu.vector_store %arg12[%swap3A_181, %swap3A_182], %swap3A_185 {strides = array<i32>} : memref<112x144xf32, #tpu.memory_space<vmem>>, vector<1x16xf32>,
      }
      %scan3A_51 = arith.constant 112 : i32
      "tpu.region"() ({
        %run_scoped3A = tpu.sem_alloc : memref<!tpu.dma_semaphore, #tpu.memory_space<semaphore_mem>>
        %dma_start3A_66 = arith.constant 0 : i32
        %dma_start3A_67 = arith.constant 0 : i32
        %dma_start3A_68 = tpu.memref_slice %arg16[%dma_start3A_66, %dma_start3A_67] : memref<10112x144xf32, #tpu.memory_space<vmem_shared>> -> memref<10112x144xf32, #tpu.memory_space<vmem_shared>>
        tpu.enqueue_indirect_dma source(%arg12 : memref<112x144xf32, #tpu.memory_space<vmem>>) target(%dma_start3A_68 : memref<10112x144xf32, #tpu.memory_space<vmem_shared>>) offsets(%arg9 : memref<112xi32, #tpu.memory_space<vmem>>) semaphore(%run_scoped3A : memref<!tpu.dma_semaphore, #tpu.memory_space<semaphore_mem>>) {add = true}
        %dma_wait3A_69 = arith.constant 0 : i32
        %dma_wait3A_70 = arith.constant 0 : i32
        %dma_wait3A_71 = tpu.memref_slice %arg16[%dma_wait3A_69, %dma_wait3A_70] : memref<10112x144xf32, #tpu.memory_space<vmem_shared>> -> memref<10112x144xf32, #tpu.memory_space<vmem_shared>>
        tpu.wait_indirect_dma semaphore(%run_scoped3A : memref<!tpu.dma_semaphore, #tpu.memory_space<semaphore_mem>>) src(%arg12 : memref<112x144xf32, #tpu.memory_space<vmem>>) dst(%dma_wait3A_71 : memref<10112x144xf32, #tpu.memory_space<vmem_shared>>)
        tpu.yield
      }) : () -> ()
      %dma_wait3A_52 = arith.constant 0 : i32
      %dma_wait3A_53 = arith.constant 0 : i32
      %dma_wait3A_54 = tpu.memref_slice %arg4[%dma_wait3A_52, %dma_wait3A_53] : memref<10000x144xf32, #tpu.memory_space<hbm>> -> memref<10000x144xf32, #tpu.memory_space<hbm>>
      tpu.wait_indirect_dma semaphore(%arg17 : memref<!tpu.dma_semaphore, #tpu.memory_space<semaphore_mem>>) src(%dma_wait3A_54 : memref<10000x144xf32, #tpu.memory_space<hbm>>) dst(%arg13 : memref<112x144xf32, #tpu.memory_space<vmem>>)
      %dma_wait3A_55 = arith.constant 0 : i32
      %dma_wait3A_56 = arith.constant 0 : i32
      %dma_wait3A_57 = tpu.memref_slice %arg5[%dma_wait3A_55, %dma_wait3A_56] : memref<10000x16xf32, #tpu.memory_space<hbm>> -> memref<10000x16xf32, #tpu.memory_space<hbm>>
      tpu.wait_indirect_dma semaphore(%arg18 : memref<!tpu.dma_semaphore, #tpu.memory_space<semaphore_mem>>) src(%dma_wait3A_57 : memref<10000x16xf32, #tpu.memory_space<hbm>>) dst(%arg15 : memref<112x16xf32, #tpu.memory_space<vmem>>)
      %lt3A = arith.constant 44 : i32
      %lt3A_58 = arith.cmpi slt, %scan3A_22, %lt3A : i32
      %convert_element_type3A = arith.extui %lt3A_58 : i1 to i32
      %cond3A = arith.constant 0 : i32
      %cond3A_59 = arith.cmpi ne, %convert_element_type3A, %cond3A : i32
      scf.if %cond3A_59 {
        %add3A_66 = arith.constant 2 : i32
        %add3A_67 = arith.addi %mul3A_24, %add3A_66 : i32
        %mul3A_68 = arith.constant 112 : i32
        %mul3A_69 = arith.muli %add3A_67, %mul3A_68 : i32
        %add3A_70 = arith.addi %mul3A_6, %mul3A_69 : i32
        "tpu.region"() ({
          %run_scoped3A = tpu.sem_alloc : memref<!tpu.dma_semaphore, #tpu.memory_space<semaphore_mem>>
          %dma_start3A_80 = tpu.memref_slice %arg2[%add3A_70] : memref<322560xi32, #tpu.memory_space<hbm>> -> memref<112xi32, #tpu.memory_space<hbm>>
          %dma_start3A_81 = tpu.memref_slice %arg2[%add3A_70] : memref<322560xi32, #tpu.memory_space<hbm>> -> memref<112xi32, #tpu.memory_space<hbm>>
          tpu.enqueue_dma source(%dma_start3A_81 : memref<112xi32, #tpu.memory_space<hbm>>) target(%arg8 : memref<112xi32, #tpu.memory_space<vmem>>) target_semaphore(%run_scoped3A : memref<!tpu.dma_semaphore, #tpu.memory_space<semaphore_mem>>)
          %dma_wait3A_82 = tpu.memref_slice %arg2[%add3A_70] : memref<322560xi32, #tpu.memory_space<hbm>> -> memref<112xi32, #tpu.memory_space<hbm>>
          %dma_wait3A_83 = tpu.memref_slice %arg2[%add3A_70] : memref<322560xi32, #tpu.memory_space<hbm>> -> memref<112xi32, #tpu.memory_space<hbm>>
          tpu.wait_dma2 semaphore(%run_scoped3A : memref<!tpu.dma_semaphore, #tpu.memory_space<semaphore_mem>>) src(%dma_wait3A_83 : memref<112xi32, #tpu.memory_space<hbm>>) dst(%arg8 : memref<112xi32, #tpu.memory_space<vmem>>)
          tpu.yield
        }) : () -> ()
        %mul3A_71 = arith.constant 112 : i32
        %mul3A_72 = arith.muli %add3A_67, %mul3A_71 : i32
        %add3A_73 = arith.addi %mul3A_6, %mul3A_72 : i32
        "tpu.region"() ({
          %run_scoped3A = tpu.sem_alloc : memref<!tpu.dma_semaphore, #tpu.memory_space<semaphore_mem>>
          %dma_start3A_80 = tpu.memref_slice %arg3[%add3A_73] : memref<322560xi32, #tpu.memory_space<hbm>> -> memref<112xi32, #tpu.memory_space<hbm>>
          %dma_start3A_81 = tpu.memref_slice %arg3[%add3A_73] : memref<322560xi32, #tpu.memory_space<hbm>> -> memref<112xi32, #tpu.memory_space<hbm>>
          tpu.enqueue_dma source(%dma_start3A_81 : memref<112xi32, #tpu.memory_space<hbm>>) target(%arg9 : memref<112xi32, #tpu.memory_space<vmem>>) target_semaphore(%run_scoped3A : memref<!tpu.dma_semaphore, #tpu.memory_space<semaphore_mem>>)
          %dma_wait3A_82 = tpu.memref_slice %arg3[%add3A_73] : memref<322560xi32, #tpu.memory_space<hbm>> -> memref<112xi32, #tpu.memory_space<hbm>>
          %dma_wait3A_83 = tpu.memref_slice %arg3[%add3A_73] : memref<322560xi32, #tpu.memory_space<hbm>> -> memref<112xi32, #tpu.memory_space<hbm>>
          tpu.wait_dma2 semaphore(%run_scoped3A : memref<!tpu.dma_semaphore, #tpu.memory_space<semaphore_mem>>) src(%dma_wait3A_83 : memref<112xi32, #tpu.memory_space<hbm>>) dst(%arg9 : memref<112xi32, #tpu.memory_space<vmem>>)
          tpu.yield
        }) : () -> ()
        %dma_start3A_74 = arith.constant 0 : i32
        %dma_start3A_75 = arith.constant 0 : i32
        %dma_start3A_76 = tpu.memref_slice %arg4[%dma_start3A_74, %dma_start3A_75] : memref<10000x144xf32, #tpu.memory_space<hbm>> -> memref<10000x144xf32, #tpu.memory_space<hbm>>
        tpu.enqueue_indirect_dma source(%dma_start3A_76 : memref<10000x144xf32, #tpu.memory_space<hbm>>) target(%arg12 : memref<112x144xf32, #tpu.memory_space<vmem>>) offsets(%arg8 : memref<112xi32, #tpu.memory_space<vmem>>) semaphore(%arg17 : memref<!tpu.dma_semaphore, #tpu.memory_space<semaphore_mem>>)
        %dma_start3A_77 = arith.constant 0 : i32
        %dma_start3A_78 = arith.constant 0 : i32
        %dma_start3A_79 = tpu.memref_slice %arg5[%dma_start3A_77, %dma_start3A_78] : memref<10000x16xf32, #tpu.memory_space<hbm>> -> memref<10000x16xf32, #tpu.memory_space<hbm>>
        tpu.enqueue_indirect_dma source(%dma_start3A_79 : memref<10000x16xf32, #tpu.memory_space<hbm>>) target(%arg14 : memref<112x16xf32, #tpu.memory_space<vmem>>) offsets(%arg9 : memref<112xi32, #tpu.memory_space<vmem>>) semaphore(%arg18 : memref<!tpu.dma_semaphore, #tpu.memory_space<semaphore_mem>>)
      } else {
      }
      %scan3A_60 = arith.constant 0 : i32
      %scan3A_61 = arith.constant 0 : i32
      %scan3A_62 = arith.constant 112 : i32
      %scan3A_63 = arith.addi %scan3A_61, %scan3A_62 : i32
      %scan3A_64 = arith.constant 1 : i32
      scf.for %scan3A_66 = %scan3A_61 to %scan3A_63 step %scan3A_64  : i32 {
        %get3A = arith.index_cast %scan3A_66 : i32 to index
        %get3A_67 = arith.constant 128 : index
        %get3A_68 = tpu.vector_load %arg13[%get3A, %get3A_67] {strides = array<i32>} : memref<112x144xf32, #tpu.memory_space<vmem>>, vector<1x16xf32>,
        %get3A_69 = vector.shape_cast %get3A_68 : vector<1x16xf32> to vector<16xf32>
        %get3A_70 = arith.index_cast %scan3A_66 : i32 to index
        %get3A_71 = arith.constant 0 : index
        %get3A_72 = tpu.vector_load %arg15[%get3A_70, %get3A_71] {strides = array<i32>} : memref<112x16xf32, #tpu.memory_space<vmem>>, vector<1x16xf32>,
        %get3A_73 = vector.shape_cast %get3A_72 : vector<1x16xf32> to vector<16xf32>
        %add3A_74 = arith.addf %get3A_69, %get3A_73 : vector<16xf32>
        %ge3A = arith.constant 0.000000e+00 : f32
        %ge3A_75 = vector.broadcast %ge3A : f32 to vector<16xf32>
        %ge3A_76 = arith.cmpf oge, %add3A_74, %ge3A_75 : vector<16xf32>
        %mul3A_77 = arith.constant 2.000000e-01 : f32
        %mul3A_78 = vector.broadcast %mul3A_77 : f32 to vector<16xf32>
        %mul3A_79 = arith.mulf %mul3A_78, %add3A_74 : vector<16xf32>
        %select_n3A = arith.select %ge3A_76, %add3A_74, %mul3A_79 : vector<16xi1>, vector<16xf32>
        %exp3A = math.exp %select_n3A : vector<16xf32>
        %swap3A = arith.index_cast %scan3A_66 : i32 to index
        %swap3A_80 = arith.constant 128 : index
        %swap3A_81 = tpu.vector_load %arg13[%swap3A, %swap3A_80] {strides = array<i32>} : memref<112x144xf32, #tpu.memory_space<vmem>>, vector<1x16xf32>,
        %swap3A_82 = vector.shape_cast %swap3A_81 : vector<1x16xf32> to vector<16xf32>
        %swap3A_83 = vector.shape_cast %exp3A : vector<16xf32> to vector<1x16xf32>
        tpu.vector_store %arg13[%swap3A, %swap3A_80], %swap3A_83 {strides = array<i32>} : memref<112x144xf32, #tpu.memory_space<vmem>>, vector<1x16xf32>,
        %slice3A = vector.extract_strided_slice %exp3A {offsets = [0], sizes = [1], strides = [1]} : vector<16xf32> to vector<1xf32>
        %squeeze3A = vector.extract %slice3A[0] : f32 from vector<1xf32>
        %get3A_84 = arith.index_cast %scan3A_66 : i32 to index
        %get3A_85 = arith.constant 0 : index
        %get3A_86 = tpu.vector_load %arg13[%get3A_84, %get3A_85] {strides = array<i32>} : memref<112x144xf32, #tpu.memory_space<vmem>>, vector<1x16xf32>,
        %get3A_87 = vector.shape_cast %get3A_86 : vector<1x16xf32> to vector<16xf32>
        %mul3A_88 = vector.broadcast %squeeze3A : f32 to vector<16xf32>
        %mul3A_89 = arith.mulf %mul3A_88, %get3A_87 : vector<16xf32>
        %swap3A_90 = arith.index_cast %scan3A_66 : i32 to index
        %swap3A_91 = arith.constant 0 : index
        %swap3A_92 = tpu.vector_load %arg13[%swap3A_90, %swap3A_91] {strides = array<i32>} : memref<112x144xf32, #tpu.memory_space<vmem>>, vector<1x16xf32>,
        %swap3A_93 = vector.shape_cast %swap3A_92 : vector<1x16xf32> to vector<16xf32>
        %swap3A_94 = vector.shape_cast %mul3A_89 : vector<16xf32> to vector<1x16xf32>
        tpu.vector_store %arg13[%swap3A_90, %swap3A_91], %swap3A_94 {strides = array<i32>} : memref<112x144xf32, #tpu.memory_space<vmem>>, vector<1x16xf32>,
        %slice3A_95 = vector.extract_strided_slice %exp3A {offsets = [1], sizes = [1], strides = [1]} : vector<16xf32> to vector<1xf32>
        %squeeze3A_96 = vector.extract %slice3A_95[0] : f32 from vector<1xf32>
        %get3A_97 = arith.index_cast %scan3A_66 : i32 to index
        %get3A_98 = arith.constant 16 : index
        %get3A_99 = tpu.vector_load %arg13[%get3A_97, %get3A_98] {strides = array<i32>} : memref<112x144xf32, #tpu.memory_space<vmem>>, vector<1x16xf32>,
        %get3A_100 = vector.shape_cast %get3A_99 : vector<1x16xf32> to vector<16xf32>
        %mul3A_101 = vector.broadcast %squeeze3A_96 : f32 to vector<16xf32>
        %mul3A_102 = arith.mulf %mul3A_101, %get3A_100 : vector<16xf32>
        %swap3A_103 = arith.index_cast %scan3A_66 : i32 to index
        %swap3A_104 = arith.constant 16 : index
        %swap3A_105 = tpu.vector_load %arg13[%swap3A_103, %swap3A_104] {strides = array<i32>} : memref<112x144xf32, #tpu.memory_space<vmem>>, vector<1x16xf32>,
        %swap3A_106 = vector.shape_cast %swap3A_105 : vector<1x16xf32> to vector<16xf32>
        %swap3A_107 = vector.shape_cast %mul3A_102 : vector<16xf32> to vector<1x16xf32>
        tpu.vector_store %arg13[%swap3A_103, %swap3A_104], %swap3A_107 {strides = array<i32>} : memref<112x144xf32, #tpu.memory_space<vmem>>, vector<1x16xf32>,
        %slice3A_108 = vector.extract_strided_slice %exp3A {offsets = [2], sizes = [1], strides = [1]} : vector<16xf32> to vector<1xf32>
        %squeeze3A_109 = vector.extract %slice3A_108[0] : f32 from vector<1xf32>
        %get3A_110 = arith.index_cast %scan3A_66 : i32 to index
        %get3A_111 = arith.constant 32 : index
        %get3A_112 = tpu.vector_load %arg13[%get3A_110, %get3A_111] {strides = array<i32>} : memref<112x144xf32, #tpu.memory_space<vmem>>, vector<1x16xf32>,
        %get3A_113 = vector.shape_cast %get3A_112 : vector<1x16xf32> to vector<16xf32>
        %mul3A_114 = vector.broadcast %squeeze3A_109 : f32 to vector<16xf32>
        %mul3A_115 = arith.mulf %mul3A_114, %get3A_113 : vector<16xf32>
        %swap3A_116 = arith.index_cast %scan3A_66 : i32 to index
        %swap3A_117 = arith.constant 32 : index
        %swap3A_118 = tpu.vector_load %arg13[%swap3A_116, %swap3A_117] {strides = array<i32>} : memref<112x144xf32, #tpu.memory_space<vmem>>, vector<1x16xf32>,
        %swap3A_119 = vector.shape_cast %swap3A_118 : vector<1x16xf32> to vector<16xf32>
        %swap3A_120 = vector.shape_cast %mul3A_115 : vector<16xf32> to vector<1x16xf32>
        tpu.vector_store %arg13[%swap3A_116, %swap3A_117], %swap3A_120 {strides = array<i32>} : memref<112x144xf32, #tpu.memory_space<vmem>>, vector<1x16xf32>,
        %slice3A_121 = vector.extract_strided_slice %exp3A {offsets = [3], sizes = [1], strides = [1]} : vector<16xf32> to vector<1xf32>
        %squeeze3A_122 = vector.extract %slice3A_121[0] : f32 from vector<1xf32>
        %get3A_123 = arith.index_cast %scan3A_66 : i32 to index
        %get3A_124 = arith.constant 48 : index
        %get3A_125 = tpu.vector_load %arg13[%get3A_123, %get3A_124] {strides = array<i32>} : memref<112x144xf32, #tpu.memory_space<vmem>>, vector<1x16xf32>,
        %get3A_126 = vector.shape_cast %get3A_125 : vector<1x16xf32> to vector<16xf32>
        %mul3A_127 = vector.broadcast %squeeze3A_122 : f32 to vector<16xf32>
        %mul3A_128 = arith.mulf %mul3A_127, %get3A_126 : vector<16xf32>
        %swap3A_129 = arith.index_cast %scan3A_66 : i32 to index
        %swap3A_130 = arith.constant 48 : index
        %swap3A_131 = tpu.vector_load %arg13[%swap3A_129, %swap3A_130] {strides = array<i32>} : memref<112x144xf32, #tpu.memory_space<vmem>>, vector<1x16xf32>,
        %swap3A_132 = vector.shape_cast %swap3A_131 : vector<1x16xf32> to vector<16xf32>
        %swap3A_133 = vector.shape_cast %mul3A_128 : vector<16xf32> to vector<1x16xf32>
        tpu.vector_store %arg13[%swap3A_129, %swap3A_130], %swap3A_133 {strides = array<i32>} : memref<112x144xf32, #tpu.memory_space<vmem>>, vector<1x16xf32>,
        %slice3A_134 = vector.extract_strided_slice %exp3A {offsets = [4], sizes = [1], strides = [1]} : vector<16xf32> to vector<1xf32>
        %squeeze3A_135 = vector.extract %slice3A_134[0] : f32 from vector<1xf32>
        %get3A_136 = arith.index_cast %scan3A_66 : i32 to index
        %get3A_137 = arith.constant 64 : index
        %get3A_138 = tpu.vector_load %arg13[%get3A_136, %get3A_137] {strides = array<i32>} : memref<112x144xf32, #tpu.memory_space<vmem>>, vector<1x16xf32>,
        %get3A_139 = vector.shape_cast %get3A_138 : vector<1x16xf32> to vector<16xf32>
        %mul3A_140 = vector.broadcast %squeeze3A_135 : f32 to vector<16xf32>
        %mul3A_141 = arith.mulf %mul3A_140, %get3A_139 : vector<16xf32>
        %swap3A_142 = arith.index_cast %scan3A_66 : i32 to index
        %swap3A_143 = arith.constant 64 : index
        %swap3A_144 = tpu.vector_load %arg13[%swap3A_142, %swap3A_143] {strides = array<i32>} : memref<112x144xf32, #tpu.memory_space<vmem>>, vector<1x16xf32>,
        %swap3A_145 = vector.shape_cast %swap3A_144 : vector<1x16xf32> to vector<16xf32>
        %swap3A_146 = vector.shape_cast %mul3A_141 : vector<16xf32> to vector<1x16xf32>
        tpu.vector_store %arg13[%swap3A_142, %swap3A_143], %swap3A_146 {strides = array<i32>} : memref<112x144xf32, #tpu.memory_space<vmem>>, vector<1x16xf32>,
        %slice3A_147 = vector.extract_strided_slice %exp3A {offsets = [5], sizes = [1], strides = [1]} : vector<16xf32> to vector<1xf32>
        %squeeze3A_148 = vector.extract %slice3A_147[0] : f32 from vector<1xf32>
        %get3A_149 = arith.index_cast %scan3A_66 : i32 to index
        %get3A_150 = arith.constant 80 : index
        %get3A_151 = tpu.vector_load %arg13[%get3A_149, %get3A_150] {strides = array<i32>} : memref<112x144xf32, #tpu.memory_space<vmem>>, vector<1x16xf32>,
        %get3A_152 = vector.shape_cast %get3A_151 : vector<1x16xf32> to vector<16xf32>
        %mul3A_153 = vector.broadcast %squeeze3A_148 : f32 to vector<16xf32>
        %mul3A_154 = arith.mulf %mul3A_153, %get3A_152 : vector<16xf32>
        %swap3A_155 = arith.index_cast %scan3A_66 : i32 to index
        %swap3A_156 = arith.constant 80 : index
        %swap3A_157 = tpu.vector_load %arg13[%swap3A_155, %swap3A_156] {strides = array<i32>} : memref<112x144xf32, #tpu.memory_space<vmem>>, vector<1x16xf32>,
        %swap3A_158 = vector.shape_cast %swap3A_157 : vector<1x16xf32> to vector<16xf32>
        %swap3A_159 = vector.shape_cast %mul3A_154 : vector<16xf32> to vector<1x16xf32>
        tpu.vector_store %arg13[%swap3A_155, %swap3A_156], %swap3A_159 {strides = array<i32>} : memref<112x144xf32, #tpu.memory_space<vmem>>, vector<1x16xf32>,
        %slice3A_160 = vector.extract_strided_slice %exp3A {offsets = [6], sizes = [1], strides = [1]} : vector<16xf32> to vector<1xf32>
        %squeeze3A_161 = vector.extract %slice3A_160[0] : f32 from vector<1xf32>
        %get3A_162 = arith.index_cast %scan3A_66 : i32 to index
        %get3A_163 = arith.constant 96 : index
        %get3A_164 = tpu.vector_load %arg13[%get3A_162, %get3A_163] {strides = array<i32>} : memref<112x144xf32, #tpu.memory_space<vmem>>, vector<1x16xf32>,
        %get3A_165 = vector.shape_cast %get3A_164 : vector<1x16xf32> to vector<16xf32>
        %mul3A_166 = vector.broadcast %squeeze3A_161 : f32 to vector<16xf32>
        %mul3A_167 = arith.mulf %mul3A_166, %get3A_165 : vector<16xf32>
        %swap3A_168 = arith.index_cast %scan3A_66 : i32 to index
        %swap3A_169 = arith.constant 96 : index
        %swap3A_170 = tpu.vector_load %arg13[%swap3A_168, %swap3A_169] {strides = array<i32>} : memref<112x144xf32, #tpu.memory_space<vmem>>, vector<1x16xf32>,
        %swap3A_171 = vector.shape_cast %swap3A_170 : vector<1x16xf32> to vector<16xf32>
        %swap3A_172 = vector.shape_cast %mul3A_167 : vector<16xf32> to vector<1x16xf32>
        tpu.vector_store %arg13[%swap3A_168, %swap3A_169], %swap3A_172 {strides = array<i32>} : memref<112x144xf32, #tpu.memory_space<vmem>>, vector<1x16xf32>,
        %slice3A_173 = vector.extract_strided_slice %exp3A {offsets = [7], sizes = [1], strides = [1]} : vector<16xf32> to vector<1xf32>
        %squeeze3A_174 = vector.extract %slice3A_173[0] : f32 from vector<1xf32>
        %get3A_175 = arith.index_cast %scan3A_66 : i32 to index
        %get3A_176 = arith.constant 112 : index
        %get3A_177 = tpu.vector_load %arg13[%get3A_175, %get3A_176] {strides = array<i32>} : memref<112x144xf32, #tpu.memory_space<vmem>>, vector<1x16xf32>,
        %get3A_178 = vector.shape_cast %get3A_177 : vector<1x16xf32> to vector<16xf32>
        %mul3A_179 = vector.broadcast %squeeze3A_174 : f32 to vector<16xf32>
        %mul3A_180 = arith.mulf %mul3A_179, %get3A_178 : vector<16xf32>
        %swap3A_181 = arith.index_cast %scan3A_66 : i32 to index
        %swap3A_182 = arith.constant 112 : index
        %swap3A_183 = tpu.vector_load %arg13[%swap3A_181, %swap3A_182] {strides = array<i32>} : memref<112x144xf32, #tpu.memory_space<vmem>>, vector<1x16xf32>,
        %swap3A_184 = vector.shape_cast %swap3A_183 : vector<1x16xf32> to vector<16xf32>
        %swap3A_185 = vector.shape_cast %mul3A_180 : vector<16xf32> to vector<1x16xf32>
        tpu.vector_store %arg13[%swap3A_181, %swap3A_182], %swap3A_185 {strides = array<i32>} : memref<112x144xf32, #tpu.memory_space<vmem>>, vector<1x16xf32>,
      }
      %scan3A_65 = arith.constant 112 : i32
      "tpu.region"() ({
        %run_scoped3A = tpu.sem_alloc : memref<!tpu.dma_semaphore, #tpu.memory_space<semaphore_mem>>
        %dma_start3A_66 = arith.constant 0 : i32
        %dma_start3A_67 = arith.constant 0 : i32
        %dma_start3A_68 = tpu.memref_slice %arg16[%dma_start3A_66, %dma_start3A_67] : memref<10112x144xf32, #tpu.memory_space<vmem_shared>> -> memref<10112x144xf32, #tpu.memory_space<vmem_shared>>
        tpu.enqueue_indirect_dma source(%arg13 : memref<112x144xf32, #tpu.memory_space<vmem>>) target(%dma_start3A_68 : memref<10112x144xf32, #tpu.memory_space<vmem_shared>>) offsets(%arg11 : memref<112xi32, #tpu.memory_space<vmem>>) semaphore(%run_scoped3A : memref<!tpu.dma_semaphore, #tpu.memory_space<semaphore_mem>>) {add = true}
        %dma_wait3A_69 = arith.constant 0 : i32
        %dma_wait3A_70 = arith.constant 0 : i32
        %dma_wait3A_71 = tpu.memref_slice %arg16[%dma_wait3A_69, %dma_wait3A_70] : memref<10112x144xf32, #tpu.memory_space<vmem_shared>> -> memref<10112x144xf32, #tpu.memory_space<vmem_shared>>
        tpu.wait_indirect_dma semaphore(%run_scoped3A : memref<!tpu.dma_semaphore, #tpu.memory_space<semaphore_mem>>) src(%arg13 : memref<112x144xf32, #tpu.memory_space<vmem>>) dst(%dma_wait3A_71 : memref<10112x144xf32, #tpu.memory_space<vmem_shared>>)
        tpu.yield
      }) : () -> ()
    }
    %scan3A_20 = arith.constant 45 : i32
    %barrier3A_21 = arith.constant 0 : index
    tpu.barrier barrier_id(%barrier3A_21)
    "tpu.region"() ({
      %run_scoped3A = tpu.sem_alloc : memref<!tpu.dma_semaphore, #tpu.memory_space<semaphore_mem>>
      %dma_start3A_22 = arith.constant 0 : i32
      %dma_start3A_23 = tpu.memref_slice %arg7[%arg0, %mul3A_2, %dma_start3A_22] : memref<2x10112x144xf32, #tpu.memory_space<hbm>> -> memref<1x632x144xf32, #tpu.memory_space<hbm>>
      %dma_start3A_24 = tpu.memref_squeeze %dma_start3A_23 : memref<1x632x144xf32, #tpu.memory_space<hbm>> -> memref<632x144xf32, #tpu.memory_space<hbm>>
      %dma_start3A_25 = arith.constant 0 : i32
      %dma_start3A_26 = tpu.memref_slice %arg16[%mul3A_2, %dma_start3A_25] : memref<10112x144xf32, #tpu.memory_space<vmem_shared>> -> memref<632x144xf32, #tpu.memory_space<vmem_shared>>
      tpu.enqueue_dma source(%dma_start3A_26 : memref<632x144xf32, #tpu.memory_space<vmem_shared>>) target(%dma_start3A_24 : memref<632x144xf32, #tpu.memory_space<hbm>>) target_semaphore(%run_scoped3A : memref<!tpu.dma_semaphore, #tpu.memory_space<semaphore_mem>>)
      %dma_wait3A = arith.constant 0 : i32
      %dma_wait3A_27 = tpu.memref_slice %arg7[%arg0, %mul3A_2, %dma_wait3A] : memref<2x10112x144xf32, #tpu.memory_space<hbm>> -> memref<1x632x144xf32, #tpu.memory_space<hbm>>
      %dma_wait3A_28 = tpu.memref_squeeze %dma_wait3A_27 : memref<1x632x144xf32, #tpu.memory_space<hbm>> -> memref<632x144xf32, #tpu.memory_space<hbm>>
      %dma_wait3A_29 = arith.constant 0 : i32
      %dma_wait3A_30 = tpu.memref_slice %arg16[%mul3A_2, %dma_wait3A_29] : memref<10112x144xf32, #tpu.memory_space<vmem_shared>> -> memref<632x144xf32, #tpu.memory_space<vmem_shared>>
      tpu.wait_dma2 semaphore(%run_scoped3A : memref<!tpu.dma_semaphore, #tpu.memory_space<semaphore_mem>>) src(%dma_wait3A_30 : memref<632x144xf32, #tpu.memory_space<vmem_shared>>) dst(%dma_wait3A_28 : memref<632x144xf32, #tpu.memory_space<hbm>>)
      tpu.yield
    }) : () -> ()
    return
  }
}

module attributes {stable_mosaic.version = 14 : i64} {
  func.func @_proj_body(%arg0: i32, %arg1: memref<1000x128xf32, #tpu.memory_space<vmem>>, %arg2: memref<128x128xf32, #tpu.memory_space<vmem>>, %arg3: memref<128x16xf32, #tpu.memory_space<vmem>>, %arg4: memref<128x16xf32, #tpu.memory_space<vmem>>, %arg5: memref<1000x144xf32, #tpu.memory_space<vmem>>, %arg6: memref<1000x16xf32, #tpu.memory_space<vmem>>) attributes {dimension_semantics = [#tpu.dimension_semantics<arbitrary>], iteration_bounds = array<i64: 10>, scalar_prefetch = 0 : i64, scratch_operands = 0 : i64, tpu.core_type = #tpu.core_type<tc>, window_params = [{transform_indices = @transform_0, window_bounds = array<i64: 1000, 128>}, {pipeline_mode = #tpu.pipeline_mode<synchronous>, transform_indices = @transform_1, window_bounds = array<i64: 128, 128>}, {pipeline_mode = #tpu.pipeline_mode<synchronous>, transform_indices = @transform_2, window_bounds = array<i64: 128, 16>}, {pipeline_mode = #tpu.pipeline_mode<synchronous>, transform_indices = @transform_3, window_bounds = array<i64: 128, 16>}, {transform_indices = @transform_4, window_bounds = array<i64: 1000, 144>}, {transform_indices = @transform_5, window_bounds = array<i64: 1000, 16>}]} {
    %get3A = arith.constant 0 : index
    %get3A_0 = arith.constant 0 : index
    %get3A_1 = vector.load %arg1[%get3A, %get3A_0] : memref<1000x128xf32, #tpu.memory_space<vmem>>, vector<1000x128xf32>
    %get3A_2 = arith.constant 0 : index
    %get3A_3 = arith.constant 0 : index
    %get3A_4 = vector.load %arg2[%get3A_2, %get3A_3] : memref<128x128xf32, #tpu.memory_space<vmem>>, vector<128x128xf32>
    %dot_general3A = arith.constant dense<0.000000e+00> : vector<1000x128xf32>
    %dot_general3A_5 = tpu.matmul %get3A_1, %get3A_4, %dot_general3A {dimension_numbers = #tpu.dot_dimension_numbers<[1], [0], [0], [1], [0, 0, 1, 1], [], []>, transpose_lhs_hint = false} : vector<1000x128xf32>, vector<128x128xf32>, vector<1000x128xf32> -> vector<1000x128xf32>
    %get3A_6 = arith.constant 0 : index
    %get3A_7 = arith.constant 0 : index
    %get3A_8 = vector.load %arg3[%get3A_6, %get3A_7] : memref<128x16xf32, #tpu.memory_space<vmem>>, vector<128x16xf32>
    %dot_general3A_9 = arith.constant dense<0.000000e+00> : vector<1000x16xf32>
    %dot_general3A_10 = tpu.matmul %dot_general3A_5, %get3A_8, %dot_general3A_9 {dimension_numbers = #tpu.dot_dimension_numbers<[1], [0], [0], [1], [0, 0, 1, 1], [], []>, transpose_lhs_hint = false} : vector<1000x128xf32>, vector<128x16xf32>, vector<1000x16xf32> -> vector<1000x16xf32>
    %concatenate3A = tpu.concatenate %dot_general3A_5, %dot_general3A_10 in 1 : vector<1000x128xf32>, vector<1000x16xf32> -> vector<1000x144xf32>
    %swap3A = arith.constant 0 : index
    %swap3A_11 = arith.constant 0 : index
    %swap3A_12 = vector.load %arg5[%swap3A, %swap3A_11] : memref<1000x144xf32, #tpu.memory_space<vmem>>, vector<1000x144xf32>
    tpu.vector_store %arg5[%swap3A, %swap3A_11], %concatenate3A {strides = array<i32>} : memref<1000x144xf32, #tpu.memory_space<vmem>>, vector<1000x144xf32>,
    %get3A_13 = arith.constant 0 : index
    %get3A_14 = arith.constant 0 : index
    %get3A_15 = vector.load %arg4[%get3A_13, %get3A_14] : memref<128x16xf32, #tpu.memory_space<vmem>>, vector<128x16xf32>
    %dot_general3A_16 = arith.constant dense<0.000000e+00> : vector<1000x16xf32>
    %dot_general3A_17 = tpu.matmul %dot_general3A_5, %get3A_15, %dot_general3A_16 {dimension_numbers = #tpu.dot_dimension_numbers<[1], [0], [0], [1], [0, 0, 1, 1], [], []>, transpose_lhs_hint = false} : vector<1000x128xf32>, vector<128x16xf32>, vector<1000x16xf32> -> vector<1000x16xf32>
    %swap3A_18 = arith.constant 0 : index
    %swap3A_19 = arith.constant 0 : index
    %swap3A_20 = vector.load %arg6[%swap3A_18, %swap3A_19] : memref<1000x16xf32, #tpu.memory_space<vmem>>, vector<1000x16xf32>
    tpu.vector_store %arg6[%swap3A_18, %swap3A_19], %dot_general3A_17 {strides = array<i32>} : memref<1000x16xf32, #tpu.memory_space<vmem>>, vector<1000x16xf32>,
    return
  }
  func.func @transform_0(%arg0: i32) -> (i32, i32) {
    %c0_i32 = arith.constant 0 : i32
    %c0_i32_0 = arith.constant 0 : i32
    return %arg0, %c0_i32 : i32, i32
  }
  func.func @transform_1(%arg0: i32) -> (i32, i32) {
    %c0_i32 = arith.constant 0 : i32
    %c0_i32_0 = arith.constant 0 : i32
    %c0_i32_1 = arith.constant 0 : i32
    return %c0_i32, %c0_i32_0 : i32, i32
  }
  func.func @transform_2(%arg0: i32) -> (i32, i32) {
    %c0_i32 = arith.constant 0 : i32
    %c0_i32_0 = arith.constant 0 : i32
    %c0_i32_1 = arith.constant 0 : i32
    return %c0_i32, %c0_i32_0 : i32, i32
  }
  func.func @transform_3(%arg0: i32) -> (i32, i32) {
    %c0_i32 = arith.constant 0 : i32
    %c0_i32_0 = arith.constant 0 : i32
    %c0_i32_1 = arith.constant 0 : i32
    return %c0_i32, %c0_i32_0 : i32, i32
  }
  func.func @transform_4(%arg0: i32) -> (i32, i32) {
    %c0_i32 = arith.constant 0 : i32
    %c0_i32_0 = arith.constant 0 : i32
    return %arg0, %c0_i32 : i32, i32
  }
  func.func @transform_5(%arg0: i32) -> (i32, i32) {
    %c0_i32 = arith.constant 0 : i32
    %c0_i32_0 = arith.constant 0 : i32
    return %arg0, %c0_i32 : i32, i32
  }
}

module attributes {stable_mosaic.version = 14 : i64} {
  func.func @_norm_body(%arg0: i32, %arg1: memref<2x1264x144xf32, #tpu.memory_space<vmem>>, %arg2: memref<16x128xf32, #tpu.memory_space<vmem>>, %arg3: memref<1x128xf32, #tpu.memory_space<vmem>>, %arg4: memref<1264x128xf32, #tpu.memory_space<vmem>>) attributes {dimension_semantics = [#tpu.dimension_semantics<arbitrary>], iteration_bounds = array<i64: 8>, scalar_prefetch = 0 : i64, scratch_operands = 0 : i64, tpu.core_type = #tpu.core_type<tc>, window_params = [{transform_indices = @transform_0, window_bounds = array<i64: 2, 1264, 144>}, {pipeline_mode = #tpu.pipeline_mode<synchronous>, transform_indices = @transform_1, window_bounds = array<i64: 16, 128>}, {pipeline_mode = #tpu.pipeline_mode<synchronous>, transform_indices = @transform_2, window_bounds = array<i64: 1, 128>}, {transform_indices = @transform_3, window_bounds = array<i64: 1264, 128>}]} {
    %get3A = arith.constant 0 : index
    %get3A_0 = arith.constant 0 : index
    %get3A_1 = arith.constant 0 : index
    %get3A_2 = vector.load %arg1[%get3A, %get3A_0, %get3A_1] : memref<2x1264x144xf32, #tpu.memory_space<vmem>>, vector<1x1264x144xf32>
    %get3A_3 = vector.shape_cast %get3A_2 : vector<1x1264x144xf32> to vector<1264x144xf32>
    %get3A_4 = arith.constant 1 : index
    %get3A_5 = arith.constant 0 : index
    %get3A_6 = arith.constant 0 : index
    %get3A_7 = vector.load %arg1[%get3A_4, %get3A_5, %get3A_6] : memref<2x1264x144xf32, #tpu.memory_space<vmem>>, vector<1x1264x144xf32>
    %get3A_8 = vector.shape_cast %get3A_7 : vector<1x1264x144xf32> to vector<1264x144xf32>
    %add3A = arith.addf %get3A_3, %get3A_8 : vector<1264x144xf32>
    %slice3A = vector.extract_strided_slice %add3A {offsets = [0, 0], sizes = [1264, 128], strides = [1, 1]} : vector<1264x144xf32> to vector<1264x128xf32>
    %slice3A_9 = vector.extract_strided_slice %add3A {offsets = [0, 128], sizes = [1264, 16], strides = [1, 1]} : vector<1264x144xf32> to vector<1264x16xf32>
    %get3A_10 = arith.constant 0 : index
    %get3A_11 = arith.constant 0 : index
    %get3A_12 = vector.load %arg2[%get3A_10, %get3A_11] : memref<16x128xf32, #tpu.memory_space<vmem>>, vector<16x128xf32>
    %dot_general3A = arith.constant dense<0.000000e+00> : vector<1264x128xf32>
    %dot_general3A_13 = tpu.matmul %slice3A_9, %get3A_12, %dot_general3A {dimension_numbers = #tpu.dot_dimension_numbers<[1], [0], [0], [1], [0, 0, 1, 1], [], []>, transpose_lhs_hint = false} : vector<1264x16xf32>, vector<16x128xf32>, vector<1264x128xf32> -> vector<1264x128xf32>
    %add3A_14 = arith.constant 9.99999971E-10 : f32
    %add3A_15 = vector.broadcast %add3A_14 : f32 to vector<1264x128xf32>
    %add3A_16 = arith.addf %dot_general3A_13, %add3A_15 : vector<1264x128xf32>
    %div3A = arith.divf %slice3A, %add3A_16 : vector<1264x128xf32>
    %get3A_17 = arith.constant 0 : index
    %get3A_18 = arith.constant 0 : index
    %get3A_19 = vector.load %arg3[%get3A_17, %get3A_18] : memref<1x128xf32, #tpu.memory_space<vmem>>, vector<1x128xf32>
    %add3A_20 = vector.broadcast %get3A_19 : vector<1x128xf32> to vector<1264x128xf32>
    %add3A_21 = arith.addf %div3A, %add3A_20 : vector<1264x128xf32>
    %swap3A = arith.constant 0 : index
    %swap3A_22 = arith.constant 0 : index
    %swap3A_23 = vector.load %arg4[%swap3A, %swap3A_22] : memref<1264x128xf32, #tpu.memory_space<vmem>>, vector<1264x128xf32>
    tpu.vector_store %arg4[%swap3A, %swap3A_22], %add3A_21 {strides = array<i32>} : memref<1264x128xf32, #tpu.memory_space<vmem>>, vector<1264x128xf32>,
    return
  }
  func.func @transform_0(%arg0: i32) -> (i32, i32, i32) {
    %c0_i32 = arith.constant 0 : i32
    %c0_i32_0 = arith.constant 0 : i32
    %c0_i32_1 = arith.constant 0 : i32
    return %c0_i32, %arg0, %c0_i32_0 : i32, i32, i32
  }
  func.func @transform_1(%arg0: i32) -> (i32, i32) {
    %c0_i32 = arith.constant 0 : i32
    %c0_i32_0 = arith.constant 0 : i32
    %c0_i32_1 = arith.constant 0 : i32
    return %c0_i32, %c0_i32_0 : i32, i32
  }
  func.func @transform_2(%arg0: i32) -> (i32, i32) {
    %c0_i32 = arith.constant 0 : i32
    %c0_i32_0 = arith.constant 0 : i32
    %c0_i32_1 = arith.constant 0 : i32
    return %c0_i32, %c0_i32_0 : i32, i32
  }
  func.func @transform_3(%arg0: i32) -> (i32, i32) {
    %c0_i32 = arith.constant 0 : i32
    %c0_i32_0 = arith.constant 0 : i32
    return %arg0, %c0_i32 : i32, i32
  }
}

</mosaic_0001>

<sc_bundles>
// kernel: kernel.5.cloned.1.call-start
scs
__scs_entry_jumppad:
0x0: {  	(pc) =	sbr.rel $0x88, $3  }
0x1: {  	(tag) =	ssettag $0x0;
	lr =	simm.s32 $0x1  }
0x2: {  	[smem:$0x3F9B] =	sst lr;
	_ =	strace $0xD0000000  }
0x3: {  	_ = 	snop  }
0x4: {  	_ = 	snop  }
0x5: {  	_ = 	snop  }
0x6: {  	_ = 	snop  }
0x7: {  	_ = 	snop  }
__scs_overlays_trampoline_lowered:
0x8: {  	[smem:$0x3FAA] =	sst s0  }
0x9: {  	[smem:$0x3FAB] =	sst s1  }
0xa: {  	[smem:$0x3FAC] =	sst s2  }
0xb: {  	[smem:$0x3FAD] =	sst s3  }
0xc: {  	[smem:$0x3FAE] =	sst s4  }
0xd: {  	[smem:$0x3FAF] =	sst s5  }
0xe: {  	[smem:$0x3FB0] =	sst s6  }
0xf: {  	[smem:$0x3FB1] =	sst s7  }
0x10: {  	[smem:$0x3FB2] =	sst s8  }
0x11: {  	[smem:$0x3FB3] =	sst s9;
	s0 =	simm.s32 @!p0 $0x0  }
0x12: {  	s1 =	sld [smem:$0x3F99];
	s0 =	simm.s32 @p0 $0x1  }
0x13: {  	[smem:$0x3FB4] =	sst s0;
	s0 =	simm.s32 @!p1 $0x0  }
0x14: {  	s2 =	sld [smem:$0x3F98];
	s0 =	simm.s32 @p1 $0x1  }
0x15: {  	[smem:$0x3FB5] =	sst s0;
	s0 =	simm.s32 @!p2 $0x0  }
0x16: {  	s3 =	sld [smem:$0x3FDB];
	s0 =	simm.s32 @p2 $0x1  }
0x17: {  	s4 =	simm.s32 $0x1BF5;
	[smem:$0x3FB7] =	sst s0  }
0x18: {  	s0 =	sld [smem:$0x3F9A];
	_ =	swait.ge [sflag:s4], $0x0  }
0x19: {  	s7 =	sld [smem:$0x3F9B]  }
0x1a: {  	s8 =	sadd.s32 $0xFFFFE003, lr  }
0x1b: {  	s9 =	sadd.s32 $0xFFFFFEF7, lr;
	s5 =	simm.s32 $0xFFFFFFFF;
	p2 =	slt.u32 s8, $0xFFFFF086  }
0x1c: {  	p1 =	slt.u32 s9, $0xF7A;
	s5 =	simm.s32 @!p2 $0x0  }
0x1d: {  	s5 =	simm.s32 @p1 $0x1;
	p0 =	seq.s32 s7, s2  }
0x1e: {  	s7 =	smul.u32 @!p0 $0xF7A, s2;
	p2 =	seq.s32 @!p0 s5, $0x0  }
0x1f: {  	s9 =	smul.u32 $0xF7A, s1;
	s8 =	simm.s32 @!p0 $0x1BF5;
	p2 =	por !p2, p0  }
0x20: {  	[sflag:s8] =	ssyncset.s32 @!p0 $0xFFFFF086;
	s6 =	sadd.s32 @!p0 s3, s7;
	s7 =	simm.s32 @!p0 $0x108  }
0x21: {  	s3 =	sadd.s32 s3, s9;
	s6 =	sadd.s32 @!p0 $0x88, s6;
	s7 =	simm.s32 @p2 $0x1082  }
0x22: {  	[simem:s7], [sflag:s8] =	dma.local @!p0 [hbm:s6], $0xF7A  }
0x23: {  	s9 =	sor.u32 $0xD0000000, s2;
	s6 =	simm.s32 $0x108;
	_ =	swait.ge @!p0 [sflag:s8], $0x0  }
0x24: {  	s3 =	sadd.s32 $0x88, s3;
	s6 =	simm.s32 @!p1 $0x1082;
	[sflag:s4] =	ssyncset.s32 $0xFFFFF086  }
0x25: {  	[simem:s6], [sflag:s4] =	dma.local [hbm:s3], $0xF7A  }
0x26: {  	[smem:$0x3F9B] =	sst s1;
	(tag) =	ssettag s2;
	_ =	strace s9  }
0x27: {  	s1 =	sld [smem:$0x3FAB]  }
0x28: {  	s2 =	sld [smem:$0x3FAC]  }
0x29: {  	s4 =	sld [smem:$0x3FAE]  }
0x2a: {  	p0 =	seq.s32 s5, $0x0;
	s5 =	sld [smem:$0x3FAF]  }
0x2b: {  	s6 =	sld [smem:$0x3FB0]  }
0x2c: {  	s7 =	sld [smem:$0x3FB1]  }
0x2d: {  	s3 =	simm.s32 $0x108;
	s8 =	sld [smem:$0x3FB2]  }
0x2e: {  	s3 =	simm.s32 @!p0 $0x1082;
	s9 =	sld [smem:$0x3FB3]  }
0x2f: {  	lr =	sadd.s32 s0, s3;
	s0 =	sld [smem:$0x3FAA]  }
0x30: {  	s3 =	sld [smem:$0x3FAD]  }
0x31: {  	[smem:$0x3FB6] =	sst s10  }
0x32: {  	s10 =	sld [smem:$0x3FB4];
	_ =	sdelay $0x3  }
0x33: {  	p0 =	seq.s32 s10, $0x1;
	s10 =	sld [smem:$0x3FB6];
	_ =	sdelay $0x3  }
0x34: {  	[smem:$0x3FB6] =	sst s10  }
0x35: {  	s10 =	sld [smem:$0x3FB5];
	_ =	sdelay $0x3  }
0x36: {  	p1 =	seq.s32 s10, $0x1;
	s10 =	sld [smem:$0x3FB6];
	_ =	sdelay $0x3  }
0x37: {  	[smem:$0x3FB6] =	sst s10  }
0x38: {  	s10 =	sld [smem:$0x3FB7]  }
0x39: {  	_ = 	snop;
	(pc) =	sbr.ind lr, $3  }
0x3a: {  	_ = 	snop  }
0x3b: {  	_ = 	snop  }
0x3c: {  	p2 =	seq.s32 s10, $0x1;
	s10 =	sld [smem:$0x3FB6]  }
0x3d: {  	_ =	shalt  }
0x3e: {  	_ =	shalt  }
0x3f: {  	_ =	shalt  }
0x40: {  	_ =	shalt  }
0x41: {  	_ =	shalt  }
0x42: {  	_ =	shalt  }
0x43: {  	_ =	shalt  }
0x44: {  	_ =	shalt  }
0x45: {  	_ =	shalt  }
0x46: {  	_ =	shalt  }
0x47: {  	_ =	shalt  }
0x48: {  	_ =	shalt  }
0x49: {  	_ =	shalt  }
0x4a: {  	_ =	shalt  }
0x4b: {  	_ =	shalt  }
0x4c: {  	_ =	shalt  }
0x4d: {  	_ =	shalt  }
0x4e: {  	_ =	shalt  }
0x4f: {  	_ =	shalt  }
0x50: {  	_ =	shalt  }
0x51: {  	_ =	shalt  }
0x52: {  	_ =	shalt  }
0x53: {  	_ =	shalt  }
0x54: {  	_ =	shalt  }
0x55: {  	_ =	shalt  }
0x56: {  	_ =	shalt  }
0x57: {  	_ =	shalt  }
0x58: {  	_ =	shalt  }
0x59: {  	_ =	shalt  }
0x5a: {  	_ =	shalt  }
0x5b: {  	_ =	shalt  }
0x5c: {  	_ =	shalt  }
0x5d: {  	_ =	shalt  }
0x5e: {  	_ =	shalt  }
0x5f: {  	_ =	shalt  }
0x60: {  	_ =	shalt  }
0x61: {  	_ =	shalt  }
0x62: {  	_ =	shalt  }
0x63: {  	_ =	shalt  }
0x64: {  	_ =	shalt  }
0x65: {  	_ =	shalt  }
0x66: {  	_ =	shalt  }
0x67: {  	_ =	shalt  }
0x68: {  	_ =	shalt  }
0x69: {  	_ =	shalt  }
0x6a: {  	_ =	shalt  }
0x6b: {  	_ =	shalt  }
0x6c: {  	_ =	shalt  }
0x6d: {  	_ =	shalt  }
0x6e: {  	_ =	shalt  }
0x6f: {  	_ =	shalt  }
0x70: {  	_ =	shalt  }
0x71: {  	_ =	shalt  }
0x72: {  	_ =	shalt  }
0x73: {  	_ =	shalt  }
0x74: {  	_ =	shalt  }
0x75: {  	_ =	shalt  }
0x76: {  	_ =	shalt  }
0x77: {  	_ =	shalt  }
0x78: {  	_ =	shalt  }
0x79: {  	_ =	shalt  }
0x7a: {  	_ =	shalt  }
0x7b: {  	_ =	shalt  }
0x7c: {  	_ =	shalt  }
0x7d: {  	_ =	shalt  }
0x7e: {  	_ =	shalt  }
0x7f: {  	_ =	shalt  }
0x80: {  	_ =	shalt  }
0x81: {  	_ =	shalt  }
0x82: {  	_ =	shalt  }
0x83: {  	_ =	shalt  }
0x84: {  	_ =	shalt  }
0x85: {  	_ =	shalt  }
0x86: {  	_ =	shalt  }
0x87: {  	_ =	shalt  }
.Lfunc_end0:
.L_simem_size_0:
called_computation_lowered:
.L_overlay_start_0:
0x88: {  	s2 =	sld [smem:$0x3FD9]  }
0x89: {  	s3 =	sld [smem:$0x3FFE];
	_ =	sdelay $0x1  }
0x8a: {  	s1 =	srdreg.scid  }
0x8b: {  	s0 =	sand.u32 $0x1, s1  }
0x8c: {  	s17 =	sshll.u32 s0, $0xA;
	s2 =	sadd.s32 s3, s2  }
0x8d: {  	s2 =	sadd.s32 s2, s17  }
0x8e: {  	[smem:$0x3FC2] =	sst s2  }
0x8f: {  	_ = 	snop  }
0x90: {  	s2 =	sld [smem:$0x3FD0];
	(tm) =	ssettm $0x1  }
0x91: {  	s18 =	sld [smem:$0x3FFB];
	_ =	sdelay $0x3  }
0x92: {  	_ =	strace s18  }
0x93: {  	s3 =	sld [smem:$0x3FFC];
	_ =	sdelay $0x3  }
0x94: {  	_ =	strace s3  }
0x95: {  	s3 =	sld [smem:$0x3FFD];
	_ =	sdelay $0x3  }
0x96: {  	_ =	strace s3  }
0x97: {  	_ =	strace $0x8FFFFFFF  }
0x98: {  	s19 =	sld [smem:$0x3FDB];
	_ =	sdelay $0x1  }
0x99: {  	s4 =	simm.s32 $_scs_section_size  }
0x9a: {  	s5 =	simm.s32 $_size__tile_overlayer_lowered;
	s6 =	simm.s32 $_tile_overlayer_lowered  }
0x9b: {  	s22 =	simm.s32 $0x1BFF;
	s21 =	sshll.u32 s6, $0x1;
	s3 =	sadd.s32 s4, s19  }
0x9c: {  	s7 =	simm.s32 $0x0;
	s20 =	sshll.u32 s5, $0x1;
	s5 =	sadd.s32 s21, s3  }
0x9d: {  	[timem:s7], [sflag:s22] =	dma.local [hbm:s5], s20  }
0x9e: {  	_ =	swait.ge [sflag:s22], s20  }
0x9f: {  	s4 =	ssub.s32 $0x0, s20;
	[sflag:s22] =	ssyncset.done $0x0  }
0xa0: {  	[sflag:s22] =	ssyncadd.s32 s4;
	_ =	sdelay $0x1  }
0xa1: {  	s23 =	simm.s32 $0x1B8B  }
0xa2: {  	_ =	swait.ge [sflag:s23], $0x1  }
0xa3: {  	[sflag:s23] =	ssyncset.done $0x0  }
0xa4: {  	s25 =	simm.s32 $0x1B8E;
	s24 =	sld [smem:$0x3FFE];
	[sflag:s23] =	ssyncadd.s32 $0xFFFFFFFF  }
0xa5: {  	s26 =	simm.s32 $execute0_lowered;
	[smem:$0x3FD2] =	sst s25  }
0xa6: {  	s5 =	sshll.u32 s26, $0x1;
	_ =	strace $0x80000046;
	[dreg:$0x1] =	wrdreg $0xFFFFFFFF  }
0xa7: {  	s28 =	simm.s32 $_size_execute0_lowered;
	s3 =	sadd.s32 s3, s5;
	[dreg:$0x0] =	wrdreg $0x0  }
0xa8: {  	s5 =	sshll.u32 s28, $0x1;
	[dreg:$0x2] =	wrdreg s3  }
0xa9: {  	[dreg:$0x3] =	wrdreg s5  }
0xaa: {  	[dreg:$0x4] =	wrdreg $0xC0  }
0xab: {  	_ =	task [dreg:s7], $0x5FFFF  }
0xac: {  	[dreg:$0x1] =	wrdreg $0xFFFFFFFF  }
0xad: {  	[dreg:$0x0] =	wrdreg $0x60  }
0xae: {  	[dreg:$0x2] =	wrdreg s2  }
0xaf: {  	[dreg:$0x3] =	wrdreg s24  }
0xb0: {  	[dreg:$0x4] =	wrdreg $0x8DC00  }
0xb1: {  	[dreg:$0x5] =	wrdreg $0x9  }
0xb2: {  	_ =	task.clear_ibuf [dreg:s7], $0x6FFFF;
	_ =	strace $0x90000046  }
0xb3: {  	s29 =	simm.s32 $0x9;
	_ =	strace $0x80000048  }
0xb4: {  	_ =	swait.ge [sflag:s29], $0x1  }
0xb5: {  	[sflag:s29] =	ssyncadd.s32 $0xFFFFFFFF  }
0xb6: {  	_ =	strace $0x90000048  }
0xb7: {  	_ =	sfence  }
0xb8: {  	s30 =	sld [smem:$0x0];
	_ =	sdelay $0x2  }
0xb9: {  	s31 =	sshll.u32 s1, $0xD;
	s1 =	sshrl.u32 s1, $0x2  }
0xba: {  	s3 =	sand.u32 $0x4000, s31;
	s1 =	sadd.s32 s1, s30  }
0xbb: {  	s0 =	sor.u32 s3, s0;
	s1 =	sshll.u32 s1, $0x11  }
0xbc: {  	s0 =	sor.u32 s1, s0  }
0xbd: {  	s0 =	sadd.s32 $0x8F2B, s0  }
0xbe: {  	[sflag:s0] =	ssyncadd.remote.s32 $0x1  }
0xbf: {  	_ =	sfence.sel $0xFFFF  }
0xc0: {  	[dreg:$0x0] =	wrdreg $0xFFFFFFFF;
	(pc) =	sbr.abs _section_cstart, $3  }
0xc1: {  	[dreg:$0x1] =	wrdreg $0xFFFFFFFF  }
0xc2: {  	_ =	task.clear_ibuf [dreg:s7], $0x2FFFF;
	_ =	strace $0x9FFFFFFF  }
0xc3: {  	(tm) =	ssettm $0x7FFFFFFF  }
tec
execute0_lowered:
.L_overlay_start_1:
0x0: {  	(tag) =	ssettag $0x1  }
0x1: {  	s1 =	rddreg [dreg:$0x0]  }
0x2: {  	s0 =	rddreg [dreg:$0x1]  }
0x3: {  	s3 =	rddreg [dreg:$0x2];
	s4 =	simm.s32 $0x0;
	s13 =	stileid.u32  }
0x4: {  	s2 =	srdreg.scid;
	s17 =	simm.s32 $0x3;
	s18 =	simm.s32 $0x70  }
0x5: {  	s19 =	simm.s32 $0x1C0;
	s21 =	simm.s32 $0x1;
	s22 =	simm.s32 $0x2  }
0x6: {  	s23 =	simm.s32 $0xE0;
	s24 =	simm.s32 $0x150;
	s25 =	simm.s32 $0x40C0  }
0x7: {  	s26 =	simm.s32 $0x86C0;
	s28 =	simm.s32 $0x0;
	[smem:$0x7FF] =	sst s4  }
0x8: {  	s8 =	smul.u32 $0x16380, s13;
	s2 =	sand.u32 $0x1, s2;
	s5 =	sadd.s32 $0x31A00, s0  }
0x9: {  	s6 =	sadd.s32 $0xA00, s0;
	s7 =	sadd.s32 $0x2CA00, s0;
	s11 =	sshll.u32 s13, $0x1  }
0xa: {  	s30 =	sshll.u32 s13, $0x6;
	_ =	strace $0x80000047;
	s9 =	smul.u32 $0x163800, s2  }
0xb: {  	s12 =	ssub.s32 $0x2, s2;
	s2 =	sor.u32 s2, s11;
	s10 =	sshrl.u32 s8, $0x3  }
0xc: {  	s29 =	sshrl.u32 s12, $0x1;
	s2 =	smul.u32 $0x2760, s2;
	s16 =	sadd.s32 s8, s3  }
0xd: {  	s10 =	sadd.s32 s10, s0;
	s9 =	sadd.s32 s8, s9;
	s15 =	ssub.s32 s12, s29  }
0xe: {  	s16 =	sshrl.u32 s16, $0x3;
	s9 =	sshrl.u32 s9, $0x3;
	s8 =	sadd.s32 $0x3B800, s10  }
0xf: {  	s31 =	sshrl.u32 s2, $0x3;
	s12 =	sadd.s32 $0x70, s2;
	s13 =	sadd.s32 $0xE0, s2  }
0x10: {  	s15 =	smax.u32 s15, $0x1;
	s0 =	sadd.s32 s9, s0;
	s9 =	sor.u32 $0x1C03, s30  }
0x11: {  	s10 =	sadd.s32 s1, s31;
	s11 =	sadd.s32 s5, s31;
	s14 =	sadd.s32 $0x68000, s0  }
.LBB2_1:
0x12: {  	[spmem:s16], [sflag:s9] =	dma.local [hbm:s8], $0x2C70  }
0x13: {  	_ =	swait.ge [sflag:s17], $0x2C70  }
0x14: {  	[sflag:s17] =	ssyncset.done $0x0  }
0x15: {  	[sflag:s17] =	ssyncadd.s32 $0xFFFFD390  }
0x16: {  	[bflag:$0x0] =	sbarrier.arrive $0xFFFF  }
0x17: {  	[tilespmem:s4], [sflag:$0x3] =	stream.linear.gather [hbm4b:s10+s4], $0x70, $0x38;
	[tilespmem:$0x1F140] =	vst v63  }
0x18: {  	_ =	swait.ge [sflag:s17], $0x70  }
0x19: {  	[sflag:s17] =	ssyncset.done $0x0  }
0x1a: {  	[sflag:s17] =	ssyncadd.s32 $0xFFFFFF90  }
0x1b: {  	[tilespmem:s18], [sflag:$0x3] =	stream.linear.gather [hbm4b:s11+s4], $0x70, $0x38;
	[tilespmem:$0x1F140] =	vst v63  }
0x1c: {  	_ =	swait.ge [sflag:s17], $0x70  }
0x1d: {  	[sflag:s17] =	ssyncset.done $0x0  }
0x1e: {  	[sflag:s17] =	ssyncadd.s32 $0xFFFFFF90  }
0x1f: {  	[tilespmem:s19], [sflag:$0x1] =	stream.indirect.gather [hbm4b:s6+s18], $0x90, s4, s18, $0xb8;
	[tilespmem:$0x1F140] =	vst v63  }
0x20: {  	s0 =	simm.s32 $0x7FC0;
	s29 =	simm.s32 $0x0  }
0x21: {  	[tilespmem:s0], [sflag:$0x2] =	stream.indirect.gather [hbm4b:s7+s18], $0x10, s18, s18, $0xb8;
	[tilespmem:$0x1F140] =	vst v63  }
.LBB2_2:
0x22: {  	_ =	swait.ge [sflag:s21], $0x3F00  }
0x23: {  	s30 =	smul.u32 $0xE0, s29;
	[sflag:s21] =	ssyncset.done $0x0  }
0x24: {  	[sflag:s21] =	ssyncadd.s32 $0xFFFFC100  }
0x25: {  	s0 =	sadd.s32 s30, s12;
	_ =	swait.ge [sflag:s22], $0x700  }
0x26: {  	s0 =	sshrl.u32 s0, $0x3;
	[sflag:s22] =	ssyncset.done $0x0  }
0x27: {  	s20 =	simm.s32 $0x0;
	s2 =	sadd.s32 s1, s0;
	[sflag:s22] =	ssyncadd.s32 $0xFFFFF900  }
0x28: {  	[tilespmem:s23], [sflag:$0x3] =	stream.linear.gather [hbm4b:s2+s20], $0x70, $0x38;
	[tilespmem:$0x1F140] =	vst v63  }
0x29: {  	_ =	swait.ge [sflag:s17], $0x70  }
0x2a: {  	[sflag:s17] =	ssyncset.done $0x0  }
0x2b: {  	s0 =	sadd.s32 s5, s0;
	[sflag:s17] =	ssyncadd.s32 $0xFFFFFF90  }
0x2c: {  	[tilespmem:s24], [sflag:$0x3] =	stream.linear.gather [hbm4b:s0+s20], $0x70, $0x38;
	[tilespmem:$0x1F140] =	vst v63  }
0x2d: {  	_ =	swait.ge [sflag:s17], $0x70  }
0x2e: {  	[sflag:s17] =	ssyncset.done $0x0  }
0x2f: {  	[sflag:s17] =	ssyncadd.s32 $0xFFFFFF90  }
0x30: {  	[tilespmem:s25], [sflag:$0x1] =	stream.indirect.gather [hbm4b:s6+s18], $0x90, s23, s18, $0xb8;
	[tilespmem:$0x1F140] =	vst v63  }
0x31: {  	s31 =	simm.s32 $0x200  }
0x32: {  	[tilespmem:s26], [sflag:$0x2] =	stream.indirect.gather [hbm4b:s7+s18], $0x10, s24, s18, $0xb8;
	[tilespmem:$0x1F140] =	vst v63  }
0x33: {  	s2 =	simm.s32 $0x40;
	s20 =	simm.s32 $0x0;
	s0 =	simm.s32 $0x200;
	v0 =	vld [tilespmem:s31+$0x40]  }
.LBB2_3:
0x34: {  	p0 =	sne.s32 s2, $0x1BC0;
	v1 =	vld [tilespmem:s20+$0x7FC0];
	_ =	sdelay $0x4  }
0x35: {  	v0 =	vadd.f32 v1, v0;
	_ =	sdelay $0x1  }
0x36: {  	v1 =	vmul.f32 $2.000000030e-01, v0  }
0x37: {  	vm0 =	vge.f32 v0, $0.0e+00  }
0x38: {  	v0 =	vsel vm0, v0, v1  }
0x39: {  	v0 =	vmul.f32 $1.442695020e+00, v0;
	_ =	sdelay $0x1  }
0x3a: {  	(erf) = vpow2.f32 v0;
	_ =	sdelay $0x4  }
0x3b: {  	v0 =	vld [tilespmem:s31+$0x30]  }
0x3c: {  	v1 =	vld [tilespmem:s31+$0x20]  }
0x3d: {  	v2 =	vld [tilespmem:s31+$0x10]  }
0x3e: {  	v3 =	vld [tilespmem:s31+$0x0]  }
0x3f: {  	v4 =	vld [tilespmem:s31+$0xFFFFFFF0];
	v5 =	vpop (erf)  }
0x40: {  	[tilespmem:s31+$0x40] =	vst v5;
	v6 =	vld [tilespmem:s31+$0xFFFFFFE0];
	v7 =	vbroadcast v5, $0x6;
	v8 =	vbroadcast v5, $0x7  }
0x41: {  	v10 =	vbroadcast v5, $0x4;
	v11 =	vbroadcast v5, $0x5;
	v9 =	vld [tilespmem:s31+$0xFFFFFFD0]  }
0x42: {  	v12 =	vld [tilespmem:s31+$0xFFFFFFC0];
	v1 =	vmul.f32 v1, v7;
	v0 =	vmul.f32 v0, v8  }
0x43: {  	v2 =	vmul.f32 v2, v11;
	v3 =	vmul.f32 v3, v10  }
0x44: {  	v7 =	vbroadcast v5, $0x2;
	v8 =	vbroadcast v5, $0x3;
	[tilespmem:s31+$0x30] =	vst v0  }
0x45: {  	v0 =	vbroadcast v5, $0x0;
	v5 =	vbroadcast v5, $0x1;
	[tilespmem:s31+$0x20] =	vst v1  }
0x46: {  	v4 =	vmul.f32 v4, v8;
	v1 =	vmul.f32 v6, v7;
	[tilespmem:s31+$0x10] =	vst v2  }
.Ltmp0:
0x47: {  	v2 =	vmul.f32 v0, v12;
	v0 =	vmul.f32 v5, v9;
	[tilespmem:s31+$0x0] =	vst v3;
	(pc) =	sbr.rel @p0 .LBB2_3-.Ltmp0, $4  }
0x48: {  	[tilespmem:s31+$0xFFFFFFF0] =	vst v4  }
0x49: {  	[tilespmem:s31+$0xFFFFFFE0] =	vst v1  }
0x4a: {  	s31 =	sadd.s32 $0x90, s31;
	[tilespmem:s0+$0xFFFFFFD0] =	vst v0  }
0x4b: {  	s20 =	sshra.s32 s2, $0x2;
	s2 =	sadd.s32 $0x40, s2;
	v0 =	vld [tilespmem:s31+$0x40];
	[tilespmem:s0+$0xFFFFFFC0] =	vst v2;
	s0 =	smov.u32 s31  }
0x4c: {  	v1 =	vld [tilespmem:s20+$0x7FC0];
	_ =	sdelay $0x4  }
0x4d: {  	v0 =	vadd.f32 v1, v0;
	_ =	sdelay $0x1  }
0x4e: {  	v1 =	vmul.f32 $2.000000030e-01, v0  }
0x4f: {  	vm0 =	vge.f32 v0, $0.0e+00  }
0x50: {  	v0 =	vsel vm0, v0, v1  }
0x51: {  	v0 =	vmul.f32 $1.442695020e+00, v0;
	_ =	sdelay $0x1  }
0x52: {  	(erf) = vpow2.f32 v0;
	_ =	sdelay $0x6  }
0x53: {  	v0 =	vld [tilespmem:s31+$0x30]  }
0x54: {  	v1 =	vld [tilespmem:s31+$0x20]  }
0x55: {  	v2 =	vld [tilespmem:s31+$0x10];
	v3 =	vpop (erf)  }
0x56: {  	v6 =	vld [tilespmem:s31+$0xFFFFFFF0];
	v5 =	vbroadcast v3, $0x7  }
0x57: {  	v4 =	vld [tilespmem:s31+$0x0];
	v7 =	vbroadcast v3, $0x6  }
0x58: {  	v8 =	vld [tilespmem:s31+$0xFFFFFFE0];
	v9 =	vbroadcast v3, $0x5;
	v0 =	vmul.f32 v0, v5  }
0x59: {  	v60 =	vld [tilespmem:s31+$0xFFFFFFD0];
	[tilespmem:s31+$0x40] =	vst v3;
	v62 =	vbroadcast v3, $0x3;
	v1 =	vmul.f32 v1, v7  }
0x5a: {  	v61 =	vld [tilespmem:s31+$0xFFFFFFC0];
	v10 =	vbroadcast v3, $0x4;
	v2 =	vmul.f32 v2, v9;
	[tilespmem:s31+$0x30] =	vst v0  }
0x5b: {  	v63 =	vbroadcast v3, $0x2;
	v6 =	vmul.f32 v6, v62;
	[tilespmem:s31+$0x20] =	vst v1  }
0x5c: {  	v0 =	vmul.f32 v4, v10;
	v1 =	vbroadcast v3, $0x1;
	[tilespmem:s31+$0x10] =	vst v2  }
0x5d: {  	v2 =	vbroadcast v3, $0x0;
	v3 =	vmul.f32 v8, v63;
	[tilespmem:s31+$0xFFFFFFF0] =	vst v6  }
0x5e: {  	[tilespmem:s31+$0x0] =	vst v0;
	v0 =	vmul.f32 v1, v60  }
0x5f: {  	v1 =	vmul.f32 v2, v61;
	[tilespmem:s31+$0xFFFFFFE0] =	vst v3  }
0x60: {  	[tilespmem:s0+$0xFFFFFFD0] =	vst v0  }
0x61: {  	[tilespmem:s0+$0xFFFFFFC0] =	vst v1  }
0x62: {  	[spmem:s3] =	stream.indirect.scatter.add.f32 [tilespmem:s19], [sflag:$0x3], $0x90, s18, s18, $0xb8;
	[tilespmem:$0x1F140] =	vst v63  }
0x63: {  	_ =	swait.ge [sflag:s17], $0x3F00  }
0x64: {  	[sflag:s17] =	ssyncset.done $0x0  }
0x65: {  	[sflag:s17] =	ssyncadd.s32 $0xFFFFC100  }
0x66: {  	_ =	swait.ge [sflag:s21], $0x3F00  }
0x67: {  	[sflag:s21] =	ssyncset.done $0x0  }
0x68: {  	p0 =	seq.s32 s29, $0x2C;
	[sflag:s21] =	ssyncadd.s32 $0xFFFFC100  }
0x69: {  	s0 =	sadd.s32 @!p0 s30, s13;
	_ =	swait.ge [sflag:s22], $0x700  }
0x6a: {  	s0 =	sshrl.u32 @!p0 s0, $0x3;
	[sflag:s22] =	ssyncset.done $0x0  }
0x6b: {  	s20 =	simm.s32 @!p0 $0x0;
	s2 =	sadd.s32 @!p0 s1, s0;
	[sflag:s22] =	ssyncadd.s32 $0xFFFFF900  }
0x6c: {  	[tilespmem:s20], [sflag:$0x3] =	stream.linear.gather @!p0 [hbm4b:s2+s20], $0x70, $0x38;
	[tilespmem:$0x1F140] =	vst v63  }
0x6d: {  	s2 =	simm.s32 @!p0 $0x3  }
0x6e: {  	_ =	swait.ge @!p0 [sflag:s2], $0x70  }
0x6f: {  	[sflag:s2] =	ssyncset.done @!p0 $0x0  }
0x70: {  	s30 =	simm.s32 @!p0 $0x70;
	s0 =	sadd.s32 @!p0 s5, s0;
	[sflag:s2] =	ssyncadd.s32 @!p0 $0xFFFFFF90  }
0x71: {  	[tilespmem:s30], [sflag:$0x3] =	stream.linear.gather @!p0 [hbm4b:s0+s20], $0x70, $0x38;
	[tilespmem:$0x1F140] =	vst v63  }
0x72: {  	_ =	swait.ge @!p0 [sflag:s2], $0x70  }
0x73: {  	[sflag:s2] =	ssyncset.done @!p0 $0x0  }
0x74: {  	s0 =	simm.s32 @!p0 $0x1C0;
	[sflag:s2] =	ssyncadd.s32 @!p0 $0xFFFFFF90  }
0x75: {  	[tilespmem:s0], [sflag:$0x1] =	stream.indirect.gather @!p0 [hbm4b:s6+s30], $0x90, s20, s30, $0xb8;
	[tilespmem:$0x1F140] =	vst v63  }
0x76: {  	s0 =	simm.s32 @!p0 $0x7FC0  }
0x77: {  	[tilespmem:s0], [sflag:$0x2] =	stream.indirect.gather @!p0 [hbm4b:s7+s30], $0x10, s30, s30, $0xb8;
	[tilespmem:$0x1F140] =	vst v63  }
0x78: {  	s30 =	simm.s32 $0x4100  }
0x79: {  	s2 =	simm.s32 $0x40;
	s20 =	simm.s32 $0x0;
	s0 =	simm.s32 $0x4100;
	v0 =	vld [tilespmem:s30+$0x40]  }
.LBB2_5:
0x7a: {  	p0 =	sne.s32 s2, $0x1BC0;
	v1 =	vld [tilespmem:s20+$0x86C0];
	_ =	sdelay $0x4  }
0x7b: {  	v0 =	vadd.f32 v1, v0;
	_ =	sdelay $0x1  }
0x7c: {  	v1 =	vmul.f32 $2.000000030e-01, v0  }
0x7d: {  	vm0 =	vge.f32 v0, $0.0e+00  }
0x7e: {  	v0 =	vsel vm0, v0, v1  }
0x7f: {  	v0 =	vmul.f32 $1.442695020e+00, v0;
	_ =	sdelay $0x1  }
0x80: {  	(erf) = vpow2.f32 v0;
	_ =	sdelay $0x4  }
0x81: {  	v0 =	vld [tilespmem:s30+$0x30]  }
0x82: {  	v1 =	vld [tilespmem:s30+$0x20]  }
0x83: {  	v2 =	vld [tilespmem:s30+$0x10]  }
0x84: {  	v3 =	vld [tilespmem:s30+$0x0]  }
0x85: {  	v4 =	vld [tilespmem:s30+$0xFFFFFFF0];
	v5 =	vpop (erf)  }
0x86: {  	[tilespmem:s30+$0x40] =	vst v5;
	v6 =	vld [tilespmem:s30+$0xFFFFFFE0];
	v7 =	vbroadcast v5, $0x6;
	v8 =	vbroadcast v5, $0x7  }
0x87: {  	v10 =	vbroadcast v5, $0x4;
	v11 =	vbroadcast v5, $0x5;
	v9 =	vld [tilespmem:s30+$0xFFFFFFD0]  }
0x88: {  	v12 =	vld [tilespmem:s30+$0xFFFFFFC0];
	v1 =	vmul.f32 v1, v7;
	v0 =	vmul.f32 v0, v8  }
0x89: {  	v2 =	vmul.f32 v2, v11;
	v3 =	vmul.f32 v3, v10  }
0x8a: {  	v7 =	vbroadcast v5, $0x2;
	v8 =	vbroadcast v5, $0x3;
	[tilespmem:s30+$0x30] =	vst v0  }
0x8b: {  	v0 =	vbroadcast v5, $0x0;
	v5 =	vbroadcast v5, $0x1;
	[tilespmem:s30+$0x20] =	vst v1  }
0x8c: {  	v4 =	vmul.f32 v4, v8;
	v1 =	vmul.f32 v6, v7;
	[tilespmem:s30+$0x10] =	vst v2  }
.Ltmp1:
0x8d: {  	v2 =	vmul.f32 v0, v12;
	v0 =	vmul.f32 v5, v9;
	[tilespmem:s30+$0x0] =	vst v3;
	(pc) =	sbr.rel @p0 .LBB2_5-.Ltmp1, $4  }
0x8e: {  	[tilespmem:s30+$0xFFFFFFF0] =	vst v4  }
0x8f: {  	[tilespmem:s30+$0xFFFFFFE0] =	vst v1  }
0x90: {  	s30 =	sadd.s32 $0x90, s30;
	[tilespmem:s0+$0xFFFFFFD0] =	vst v0  }
0x91: {  	s20 =	sshra.s32 s2, $0x2;
	s2 =	sadd.s32 $0x40, s2;
	v0 =	vld [tilespmem:s30+$0x40];
	[tilespmem:s0+$0xFFFFFFC0] =	vst v2;
	s0 =	smov.u32 s30  }
0x92: {  	v1 =	vld [tilespmem:s20+$0x86C0];
	_ =	sdelay $0x4  }
0x93: {  	v0 =	vadd.f32 v1, v0;
	_ =	sdelay $0x1  }
0x94: {  	v1 =	vmul.f32 $2.000000030e-01, v0  }
0x95: {  	vm0 =	vge.f32 v0, $0.0e+00  }
0x96: {  	v0 =	vsel vm0, v0, v1  }
0x97: {  	v0 =	vmul.f32 $1.442695020e+00, v0;
	_ =	sdelay $0x1  }
0x98: {  	(erf) = vpow2.f32 v0;
	_ =	sdelay $0x6  }
0x99: {  	v52 =	vld [tilespmem:s30+$0x30]  }
0x9a: {  	v53 =	vld [tilespmem:s30+$0x20]  }
0x9b: {  	v2 =	vld [tilespmem:s30+$0x10];
	v3 =	vpop (erf)  }
0x9c: {  	v4 =	vld [tilespmem:s30+$0x0];
	v5 =	vbroadcast v3, $0x7  }
0x9d: {  	v6 =	vld [tilespmem:s30+$0xFFFFFFF0];
	v7 =	vbroadcast v3, $0x6  }
0x9e: {  	v8 =	vld [tilespmem:s30+$0xFFFFFFE0];
	v9 =	vbroadcast v3, $0x5;
	v0 =	vmul.f32 v52, v5  }
0x9f: {  	v54 =	vld [tilespmem:s30+$0xFFFFFFD0];
	[tilespmem:s30+$0x40] =	vst v3;
	v10 =	vbroadcast v3, $0x4;
	v1 =	vmul.f32 v53, v7  }
0xa0: {  	v55 =	vld [tilespmem:s30+$0xFFFFFFC0];
	v56 =	vbroadcast v3, $0x3;
	v2 =	vmul.f32 v2, v9;
	[tilespmem:s30+$0x30] =	vst v0  }
0xa1: {  	v58 =	vbroadcast v3, $0x2;
	v57 =	vmul.f32 v4, v10;
	[tilespmem:s30+$0x20] =	vst v1  }
0xa2: {  	v59 =	vbroadcast v3, $0x1;
	v6 =	vmul.f32 v6, v56;
	[tilespmem:s30+$0x10] =	vst v2  }
0xa3: {  	v60 =	vbroadcast v3, $0x0;
	v61 =	vmul.f32 v8, v58;
	[tilespmem:s30+$0x0] =	vst v57  }
0xa4: {  	v62 =	vmul.f32 v59, v54;
	[tilespmem:s30+$0xFFFFFFF0] =	vst v6  }
0xa5: {  	s29 =	sadd.s32 $0x1, s29;
	v63 =	vmul.f32 v60, v55;
	[tilespmem:s30+$0xFFFFFFE0] =	vst v61  }
0xa6: {  	p0 =	sne.s32 s29, $0x2D;
	[tilespmem:s0+$0xFFFFFFD0] =	vst v62  }
.Ltmp2:
0xa7: {  	[tilespmem:s0+$0xFFFFFFC0] =	vst v63;
	(pc) =	sbr.rel @p0 .LBB2_2-.Ltmp2, $4  }
0xa8: {  	[spmem:s3] =	stream.indirect.scatter.add.f32 [tilespmem:s25], [sflag:$0x3], $0x90, s24, s18, $0xb8;
	[tilespmem:$0x1F140] =	vst v63  }
0xa9: {  	_ =	swait.ge [sflag:s17], $0x3F00  }
0xaa: {  	[sflag:s17] =	ssyncset.done $0x0  }
0xab: {  	[sflag:s17] =	ssyncadd.s32 $0xFFFFC100  }
0xac: {  	s28 =	sadd.s32 $0x1, s28  }
0xad: {  	p0 =	sne.s32 s28, s15  }
.Ltmp3:
0xae: {  	[bflag:$0x0] =	sbarrier.arrive $0xFFFF;
	(pc) =	sbr.rel @p0 .LBB2_1-.Ltmp3, $4  }
0xaf: {  	[hbm:s14], [sflag:s9] =	dma.local [spmem:s16], $0x2C70  }
0xb0: {  	_ =	swait.ge [sflag:s17], $0x2C70  }
0xb1: {  	[sflag:s17] =	ssyncset.done $0x0  }
0xb2: {  	[sflag:s17] =	ssyncadd.s32 $0xFFFFD390  }
0xb3: {  	_ =	sfence.sel $0x180000  }
0xb4: {  	[bflag:$0x0] =	sbarrier.arrive $0xFFFF  }
0xb5: {  	_ =	strace $0x90000047  }
0xb6: {  	s0 =	stileid.u32;
	[bflag:$0x2] =	sbarrier.arrive $0xFFFF  }
0xb7: {  	p0 =	sne.s32 s0, $0x0;
	s0 =	rddreg [dreg:$0x3]  }
0xb8: {  	s0 =	sadd.s32 @!p0 $0x100000, s0  }
0xb9: {  	[sflag:s0] =	ssyncadd.tile.s32 @!p0 $0x1;
	_ =	shalt  }
.Lfunc_end2:
_tile_overlayer_lowered:
.L_overlay_start_2:
0xba: {  	(tag) =	ssettag $0x2  }
0xbb: {  	s0 =	rddreg [dreg:$0x0];
	s2 =	stileid.u32  }
0xbc: {  	s1 =	rddreg [dreg:$0x1];
	p0 =	sne.s32 s2, $0x0  }
0xbd: {  	s3 =	rddreg [dreg:$0x2];
	[bflag:$0x3] =	sbarrier.arrive $0xFFFF;
	s2 =	simm.s32 @!p0 $0x1C03  }
0xbe: {  	[timem:s3], [sflag:s2] =	dma.local @!p0 [hbm:s0], s1  }
0xbf: {  	s0 =	simm.s32 @!p0 $0x3  }
0xc0: {  	_ =	swait.ge @!p0 [sflag:s0], s1  }
0xc1: {  	s1 =	ssub.s32 @!p0 $0x0, s1;
	[sflag:s0] =	ssyncset.done @!p0 $0x0  }
0xc2: {  	[sflag:s0] =	ssyncadd.s32 @!p0 s1  }
0xc3: {  	[bflag:$0x3] =	sbarrier.arrive $0xFFFF  }
0xc4: {  	_ =	shalt  }

</sc_bundles>
